<compile_context>
chip_gen: v7x
topology: tpu7x:2x2x1
jax: 0.10.2.dev20260603
libtpu: 0.0.44.dev20260713+nightly
codegen_flags: <defaults>
</compile_context>

<pallas_src>
import functools

import jax
import jax.numpy as jnp
from jax import lax
from jax.experimental import pallas as pl
from jax.experimental.pallas import tpu as pltpu
from jax.experimental.pallas import tpu_sc as plsc

N = 10000
E = 320000
D = 128
NC = 2
NS = 16
NW = NC * NS
EPW = E // NW
CH = 80
NCH = EPW // CH
NP = 10240
RPT = NP // NS

_mesh = plsc.VectorSubcoreMesh(
    core_axis_name="c", subcore_axis_name="s", num_cores=NC, num_subcores=NS)


@functools.partial(
    pl.kernel,
    out_type=(jax.ShapeDtypeStruct((NC, NP, D), jnp.float32),
              jax.ShapeDtypeStruct((NC, NP, D), jnp.float32)),
    mesh=_mesh,
    scratch_types=[
        pltpu.VMEM((CH,), jnp.int32),
        pltpu.VMEM((CH,), jnp.int32),
        pltpu.VMEM((CH, D), jnp.float32),
        pltpu.VMEM((CH, D), jnp.float32),
        pltpu.VMEM_SHARED((NP, D), jnp.float32),
        pltpu.SemaphoreType.DMA,
    ],
)
def _scatter_phase(src_hbm, dst_hbm, x_hbm, zrow_hbm, ones_hbm,
                   acc_out, deg_out, src_v, dst_v, rows_v, ones_v,
                   acc_s, sem):
    cid = lax.axis_index("c")
    sid = lax.axis_index("s")
    base = (cid * NS + sid) * EPW

    pltpu.sync_copy(zrow_hbm, rows_v)
    for j in range(RPT // CH):
        o = sid * RPT + j * CH
        pltpu.sync_copy(rows_v, acc_s.at[pl.ds(o, CH)])
    pltpu.sync_copy(ones_hbm, ones_v)
    plsc.subcore_barrier()

    def body(c, carry):
        off = base + c * CH
        pltpu.sync_copy(src_hbm.at[pl.ds(off, CH)], src_v)
        pltpu.sync_copy(dst_hbm.at[pl.ds(off, CH)], dst_v)
        cp = pltpu.async_copy(x_hbm.at[src_v], rows_v, sem)
        cp.wait()
        pltpu.sync_copy(rows_v, acc_s.at[dst_v], add=True)
        return carry

    lax.fori_loop(0, NCH, body, 0)
    plsc.subcore_barrier()

    for j in range(RPT // CH):
        o = sid * RPT + j * CH
        pltpu.sync_copy(acc_s.at[pl.ds(o, CH)], rows_v)
        pltpu.sync_copy(rows_v, acc_out.at[cid, pl.ds(o, CH)])
    pltpu.sync_copy(zrow_hbm, rows_v)
    for j in range(RPT // CH):
        o = sid * RPT + j * CH
        pltpu.sync_copy(rows_v, acc_s.at[pl.ds(o, CH)])
    plsc.subcore_barrier()

    def dbody(c, carry):
        off = base + c * CH
        pltpu.sync_copy(dst_hbm.at[pl.ds(off, CH)], dst_v)
        pltpu.sync_copy(ones_v, acc_s.at[dst_v], add=True)
        return carry

    lax.fori_loop(0, NCH, dbody, 0)
    plsc.subcore_barrier()

    for j in range(RPT // CH):
        o = sid * RPT + j * CH
        pltpu.sync_copy(acc_s.at[pl.ds(o, CH)], rows_v)
        pltpu.sync_copy(rows_v, deg_out.at[cid, pl.ds(o, CH)])


_BN = 1024


def _node_body(acc_ref, deg_ref, x_ref, w1_ref, b1_ref, w2_ref, b2_ref,
               w3_ref, b3_ref, a_ref, b_ref):
    s = acc_ref[0] + acc_ref[1]
    deg = (deg_ref[0] + deg_ref[1])[:, :1]
    invd = 1.0 / jnp.maximum(deg, 1.0)
    gate = (deg > 0.0).astype(jnp.float32)
    x = x_ref[...]
    h1 = (jnp.dot(s * invd, w1_ref[:D], preferred_element_type=jnp.float32)
          + gate * (jnp.dot(x, w1_ref[D:], preferred_element_type=jnp.float32)
                    + b1_ref[...]))
    h2 = (jnp.dot(x, w2_ref[:D], preferred_element_type=jnp.float32)
          + jnp.dot(h1, w2_ref[D:], preferred_element_type=jnp.float32)
          + b2_ref[...])
    a_ref[...] = jnp.dot(h2, w3_ref[:D], preferred_element_type=jnp.float32)
    b_ref[...] = (jnp.dot(h2, w3_ref[D:], preferred_element_type=jnp.float32)
                  + b3_ref[...])


_node_phase = pl.pallas_call(
    _node_body,
    grid=(NP // _BN,),
    in_specs=[
        pl.BlockSpec((NC, _BN, D), lambda i: (0, i, 0)),
        pl.BlockSpec((NC, _BN, D), lambda i: (0, i, 0)),
        pl.BlockSpec((_BN, D), lambda i: (i, 0)),
        pl.BlockSpec((2 * D, D), lambda i: (0, 0)),
        pl.BlockSpec((1, D), lambda i: (0, 0)),
        pl.BlockSpec((2 * D, D), lambda i: (0, 0)),
        pl.BlockSpec((1, D), lambda i: (0, 0)),
        pl.BlockSpec((2 * D, D), lambda i: (0, 0)),
        pl.BlockSpec((1, D), lambda i: (0, 0)),
    ],
    out_specs=[
        pl.BlockSpec((_BN, D), lambda i: (i, 0)),
        pl.BlockSpec((_BN, D), lambda i: (i, 0)),
    ],
    out_shape=[
        jax.ShapeDtypeStruct((NP, D), jnp.float32),
        jax.ShapeDtypeStruct((NP, D), jnp.float32),
    ],
)


@functools.partial(
    pl.kernel,
    out_type=jax.ShapeDtypeStruct((E, D), jnp.float32),
    mesh=_mesh,
    scratch_types=[
        pltpu.VMEM((CH,), jnp.int32),
        pltpu.VMEM((CH,), jnp.int32),
        pltpu.VMEM((CH, D), jnp.float32),
        pltpu.VMEM((CH, D), jnp.float32),
        pltpu.SemaphoreType.DMA,
        pltpu.SemaphoreType.DMA,
    ],
)
def _gather_phase(src_hbm, dst_hbm, a_hbm, b_hbm, ef_hbm,
                  src_v, dst_v, a_v, b_v, sem_a, sem_b):
    cid = lax.axis_index("c")
    sid = lax.axis_index("s")
    base = (cid * NS + sid) * EPW

    def body(c, carry):
        off = base + c * CH
        pltpu.sync_copy(src_hbm.at[pl.ds(off, CH)], src_v)
        pltpu.sync_copy(dst_hbm.at[pl.ds(off, CH)], dst_v)
        cp_a = pltpu.async_copy(a_hbm.at[src_v], a_v, sem_a)
        cp_b = pltpu.async_copy(b_hbm.at[dst_v], b_v, sem_b)
        cp_a.wait()
        cp_b.wait()

        def add_row(i, carry2):
            for j in range(D // 16):
                sl = pl.ds(j * 16, 16)
                a_v[i, sl] = a_v[i, sl] + b_v[i, sl]
            return carry2

        lax.fori_loop(0, CH, add_row, 0)
        pltpu.sync_copy(a_v, ef_hbm.at[pl.ds(off, CH)])
        return carry

    lax.fori_loop(0, NCH, body, 0)


def kernel(x, edge_index, W1, b1, W2, b2, W3, b3):
    src = edge_index[0].astype(jnp.int32)
    dst = edge_index[1].astype(jnp.int32)
    zrow = jnp.zeros((CH, D), jnp.float32)
    ones = jnp.ones((CH, D), jnp.float32)
    acc, deg = _scatter_phase(src, dst, x, zrow, ones)
    xp = jnp.pad(x, ((0, NP - N), (0, 0)))
    a, b = _node_phase(acc, deg, xp, W1, b1.reshape(1, D), W2,
                       b2.reshape(1, D), W3, b3.reshape(1, D))
    return _gather_phase(src, dst, a, b)

# --- scband reference (transcript-rebuilt; emitter-appended) ---
"""Pipeline reference for scband-gnn-29703993819988 (READ-ONLY COPY).

The authoritative reference and input builder live on the scoring server;
editing this copy changes nothing except your own understanding.
"""

import jax, jax.numpy as jnp
import numpy as np

N_NODES = 10000
N_EDGES = 320000
D = 128

def setup_inputs(seed: int = 0) -> dict:
    key = jax.random.key(seed)
    ks = jax.random.split(key, 8)
    x = jax.random.normal(ks[0], (N_NODES, D), dtype=jnp.float32)
    edge_index = jax.random.randint(ks[1], (2, N_EDGES), 0, N_NODES, dtype=jnp.int64)
    scale = 1.0 / np.sqrt(2 * D)
    W1 = jax.random.uniform(ks[2], (2 * D, D), dtype=jnp.float32, minval=-scale, maxval=scale)
    b1 = jax.random.uniform(ks[3], (D,), dtype=jnp.float32, minval=-scale, maxval=scale)
    W2 = jax.random.uniform(ks[4], (2 * D, D), dtype=jnp.float32, minval=-scale, maxval=scale)
    b2 = jax.random.uniform(ks[5], (D,), dtype=jnp.float32, minval=-scale, maxval=scale)
    W3 = jax.random.uniform(ks[6], (2 * D, D), dtype=jnp.float32, minval=-scale, maxval=scale)
    b3 = jax.random.uniform(ks[7], (D,), dtype=jnp.float32, minval=-scale, maxval=scale)
    return {"x": x, "edge_index": edge_index, "W1": W1, "b1": b1, "W2": W2, "b2": b2, "W3": W3, "b3": b3}

def reference(x, edge_index, W1, b1, W2, b2, W3, b3):
    src = edge_index[0]
    dst = edge_index[1]
    n = x.shape[0]
    # step 1: per-edge message m = n2v_mlp1(cat(src_feat, dst_feat)); reduce mean by dst
    m = jnp.concatenate([x[src], x[dst]], axis=1) @ W1 + b1
    summed = jax.ops.segment_sum(m, dst, num_segments=n)
    deg = jax.ops.segment_sum(jnp.ones((m.shape[0],), dtype=x.dtype), dst, num_segments=n)
    e2n1 = summed / jnp.maximum(deg, 1.0)[:, None]
    # step 2: node update e2n1 = n2n_mlp2(cat(feat, e2n1))
    e2n1 = jnp.concatenate([x, e2n1], axis=1) @ W2 + b2
    # step 3: per-edge feature ef = n2v_mlp3(cat(src_e2n1, dst_e2n1))
    ef = jnp.concatenate([e2n1[src], e2n1[dst]], axis=1) @ W3 + b3
    return ef

if __name__ == "__main__":
    import jax
    _d = setup_inputs()
    print(jax.jit(kernel)(*tuple(_d.values())))

</pallas_src>

<mosaic_0001>
#map = affine_map<(d0, d1) -> (0)>
#map1 = affine_map<(d0, d1) -> (0, 0)>
#map2 = affine_map<(d0, d1) -> (0, 0, 0)>
module attributes {stable_mosaic.version = 14 : i64} {
  func.func @_scatter_phase(%arg0: i32, %arg1: i32, %arg2: memref<320000xi32, #tpu.memory_space<hbm>>, %arg3: memref<320000xi32, #tpu.memory_space<hbm>>, %arg4: memref<10000x128xf32, #tpu.memory_space<hbm>>, %arg5: memref<80x128xf32, #tpu.memory_space<hbm>>, %arg6: memref<80x128xf32, #tpu.memory_space<hbm>>, %arg7: memref<2x10240x128xf32, #tpu.memory_space<hbm>>, %arg8: memref<2x10240x128xf32, #tpu.memory_space<hbm>>, %arg9: memref<80xi32, #tpu.memory_space<vmem>>, %arg10: memref<80xi32, #tpu.memory_space<vmem>>, %arg11: memref<80x128xf32, #tpu.memory_space<vmem>>, %arg12: memref<80x128xf32, #tpu.memory_space<vmem>>, %arg13: memref<10240x128xf32, #tpu.memory_space<vmem_shared>>, %arg14: memref<!tpu.dma_semaphore, #tpu.memory_space<semaphore_mem>>) attributes {dimension_semantics = [#tpu.dimension_semantics<core_parallel>, #tpu.dimension_semantics<subcore_parallel>], iteration_bounds = array<i64: 2, 16>, scalar_prefetch = 0 : i64, scratch_operands = 6 : i64, tpu.core_type = #tpu.core_type<sc_vector_subcore>, window_params = [{transform_indices = #map}, {transform_indices = #map}, {transform_indices = #map1}, {transform_indices = #map1}, {transform_indices = #map1}, {transform_indices = #map2}, {transform_indices = #map2}]} {
    %mul3A = arith.constant 16 : i32
    %mul3A_0 = arith.muli %arg0, %mul3A : i32
    %add3A = arith.addi %mul3A_0, %arg1 : i32
    %mul3A_1 = arith.constant 10000 : i32
    %mul3A_2 = arith.muli %add3A, %mul3A_1 : i32
    "tpu.region"() ({
      %run_scoped3A = tpu.sem_alloc : memref<!tpu.dma_semaphore, #tpu.memory_space<semaphore_mem>>
      tpu.enqueue_dma source(%arg5 : memref<80x128xf32, #tpu.memory_space<hbm>>) target(%arg11 : memref<80x128xf32, #tpu.memory_space<vmem>>) target_semaphore(%run_scoped3A : memref<!tpu.dma_semaphore, #tpu.memory_space<semaphore_mem>>)
      tpu.wait_dma2 semaphore(%run_scoped3A : memref<!tpu.dma_semaphore, #tpu.memory_space<semaphore_mem>>) src(%arg5 : memref<80x128xf32, #tpu.memory_space<hbm>>) dst(%arg11 : memref<80x128xf32, #tpu.memory_space<vmem>>)
      tpu.yield
    }) : () -> ()
    %mul3A_3 = arith.constant 640 : i32
    %mul3A_4 = arith.muli %arg1, %mul3A_3 : i32
    %add3A_5 = arith.constant 0 : i32
    %add3A_6 = arith.addi %mul3A_4, %add3A_5 : i32
    "tpu.region"() ({
      %run_scoped3A = tpu.sem_alloc : memref<!tpu.dma_semaphore, #tpu.memory_space<semaphore_mem>>
      %dma_start3A = arith.constant 0 : i32
      %dma_start3A_145 = tpu.memref_slice %arg13[%add3A_6, %dma_start3A] : memref<10240x128xf32, #tpu.memory_space<vmem_shared>> -> memref<80x128xf32, #tpu.memory_space<vmem_shared>>
      %dma_start3A_146 = arith.constant 0 : i32
      %dma_start3A_147 = tpu.memref_slice %arg13[%add3A_6, %dma_start3A_146] : memref<10240x128xf32, #tpu.memory_space<vmem_shared>> -> memref<80x128xf32, #tpu.memory_space<vmem_shared>>
      tpu.enqueue_dma source(%arg11 : memref<80x128xf32, #tpu.memory_space<vmem>>) target(%dma_start3A_147 : memref<80x128xf32, #tpu.memory_space<vmem_shared>>) target_semaphore(%run_scoped3A : memref<!tpu.dma_semaphore, #tpu.memory_space<semaphore_mem>>)
      %dma_wait3A = arith.constant 0 : i32
      %dma_wait3A_148 = tpu.memref_slice %arg13[%add3A_6, %dma_wait3A] : memref<10240x128xf32, #tpu.memory_space<vmem_shared>> -> memref<80x128xf32, #tpu.memory_space<vmem_shared>>
      %dma_wait3A_149 = arith.constant 0 : i32
      %dma_wait3A_150 = tpu.memref_slice %arg13[%add3A_6, %dma_wait3A_149] : memref<10240x128xf32, #tpu.memory_space<vmem_shared>> -> memref<80x128xf32, #tpu.memory_space<vmem_shared>>
      tpu.wait_dma2 semaphore(%run_scoped3A : memref<!tpu.dma_semaphore, #tpu.memory_space<semaphore_mem>>) src(%arg11 : memref<80x128xf32, #tpu.memory_space<vmem>>) dst(%dma_wait3A_150 : memref<80x128xf32, #tpu.memory_space<vmem_shared>>)
      tpu.yield
    }) : () -> ()
    %mul3A_7 = arith.constant 640 : i32
    %mul3A_8 = arith.muli %arg1, %mul3A_7 : i32
    %add3A_9 = arith.constant 80 : i32
    %add3A_10 = arith.addi %mul3A_8, %add3A_9 : i32
    "tpu.region"() ({
      %run_scoped3A = tpu.sem_alloc : memref<!tpu.dma_semaphore, #tpu.memory_space<semaphore_mem>>
      %dma_start3A = arith.constant 0 : i32
      %dma_start3A_145 = tpu.memref_slice %arg13[%add3A_10, %dma_start3A] : memref<10240x128xf32, #tpu.memory_space<vmem_shared>> -> memref<80x128xf32, #tpu.memory_space<vmem_shared>>
      %dma_start3A_146 = arith.constant 0 : i32
      %dma_start3A_147 = tpu.memref_slice %arg13[%add3A_10, %dma_start3A_146] : memref<10240x128xf32, #tpu.memory_space<vmem_shared>> -> memref<80x128xf32, #tpu.memory_space<vmem_shared>>
      tpu.enqueue_dma source(%arg11 : memref<80x128xf32, #tpu.memory_space<vmem>>) target(%dma_start3A_147 : memref<80x128xf32, #tpu.memory_space<vmem_shared>>) target_semaphore(%run_scoped3A : memref<!tpu.dma_semaphore, #tpu.memory_space<semaphore_mem>>)
      %dma_wait3A = arith.constant 0 : i32
      %dma_wait3A_148 = tpu.memref_slice %arg13[%add3A_10, %dma_wait3A] : memref<10240x128xf32, #tpu.memory_space<vmem_shared>> -> memref<80x128xf32, #tpu.memory_space<vmem_shared>>
      %dma_wait3A_149 = arith.constant 0 : i32
      %dma_wait3A_150 = tpu.memref_slice %arg13[%add3A_10, %dma_wait3A_149] : memref<10240x128xf32, #tpu.memory_space<vmem_shared>> -> memref<80x128xf32, #tpu.memory_space<vmem_shared>>
      tpu.wait_dma2 semaphore(%run_scoped3A : memref<!tpu.dma_semaphore, #tpu.memory_space<semaphore_mem>>) src(%arg11 : memref<80x128xf32, #tpu.memory_space<vmem>>) dst(%dma_wait3A_150 : memref<80x128xf32, #tpu.memory_space<vmem_shared>>)
      tpu.yield
    }) : () -> ()
    %mul3A_11 = arith.constant 640 : i32
    %mul3A_12 = arith.muli %arg1, %mul3A_11 : i32
    %add3A_13 = arith.constant 160 : i32
    %add3A_14 = arith.addi %mul3A_12, %add3A_13 : i32
    "tpu.region"() ({
      %run_scoped3A = tpu.sem_alloc : memref<!tpu.dma_semaphore, #tpu.memory_space<semaphore_mem>>
      %dma_start3A = arith.constant 0 : i32
      %dma_start3A_145 = tpu.memref_slice %arg13[%add3A_14, %dma_start3A] : memref<10240x128xf32, #tpu.memory_space<vmem_shared>> -> memref<80x128xf32, #tpu.memory_space<vmem_shared>>
      %dma_start3A_146 = arith.constant 0 : i32
      %dma_start3A_147 = tpu.memref_slice %arg13[%add3A_14, %dma_start3A_146] : memref<10240x128xf32, #tpu.memory_space<vmem_shared>> -> memref<80x128xf32, #tpu.memory_space<vmem_shared>>
      tpu.enqueue_dma source(%arg11 : memref<80x128xf32, #tpu.memory_space<vmem>>) target(%dma_start3A_147 : memref<80x128xf32, #tpu.memory_space<vmem_shared>>) target_semaphore(%run_scoped3A : memref<!tpu.dma_semaphore, #tpu.memory_space<semaphore_mem>>)
      %dma_wait3A = arith.constant 0 : i32
      %dma_wait3A_148 = tpu.memref_slice %arg13[%add3A_14, %dma_wait3A] : memref<10240x128xf32, #tpu.memory_space<vmem_shared>> -> memref<80x128xf32, #tpu.memory_space<vmem_shared>>
      %dma_wait3A_149 = arith.constant 0 : i32
      %dma_wait3A_150 = tpu.memref_slice %arg13[%add3A_14, %dma_wait3A_149] : memref<10240x128xf32, #tpu.memory_space<vmem_shared>> -> memref<80x128xf32, #tpu.memory_space<vmem_shared>>
      tpu.wait_dma2 semaphore(%run_scoped3A : memref<!tpu.dma_semaphore, #tpu.memory_space<semaphore_mem>>) src(%arg11 : memref<80x128xf32, #tpu.memory_space<vmem>>) dst(%dma_wait3A_150 : memref<80x128xf32, #tpu.memory_space<vmem_shared>>)
      tpu.yield
    }) : () -> ()
    %mul3A_15 = arith.constant 640 : i32
    %mul3A_16 = arith.muli %arg1, %mul3A_15 : i32
    %add3A_17 = arith.constant 240 : i32
    %add3A_18 = arith.addi %mul3A_16, %add3A_17 : i32
    "tpu.region"() ({
      %run_scoped3A = tpu.sem_alloc : memref<!tpu.dma_semaphore, #tpu.memory_space<semaphore_mem>>
      %dma_start3A = arith.constant 0 : i32
      %dma_start3A_145 = tpu.memref_slice %arg13[%add3A_18, %dma_start3A] : memref<10240x128xf32, #tpu.memory_space<vmem_shared>> -> memref<80x128xf32, #tpu.memory_space<vmem_shared>>
      %dma_start3A_146 = arith.constant 0 : i32
      %dma_start3A_147 = tpu.memref_slice %arg13[%add3A_18, %dma_start3A_146] : memref<10240x128xf32, #tpu.memory_space<vmem_shared>> -> memref<80x128xf32, #tpu.memory_space<vmem_shared>>
      tpu.enqueue_dma source(%arg11 : memref<80x128xf32, #tpu.memory_space<vmem>>) target(%dma_start3A_147 : memref<80x128xf32, #tpu.memory_space<vmem_shared>>) target_semaphore(%run_scoped3A : memref<!tpu.dma_semaphore, #tpu.memory_space<semaphore_mem>>)
      %dma_wait3A = arith.constant 0 : i32
      %dma_wait3A_148 = tpu.memref_slice %arg13[%add3A_18, %dma_wait3A] : memref<10240x128xf32, #tpu.memory_space<vmem_shared>> -> memref<80x128xf32, #tpu.memory_space<vmem_shared>>
      %dma_wait3A_149 = arith.constant 0 : i32
      %dma_wait3A_150 = tpu.memref_slice %arg13[%add3A_18, %dma_wait3A_149] : memref<10240x128xf32, #tpu.memory_space<vmem_shared>> -> memref<80x128xf32, #tpu.memory_space<vmem_shared>>
      tpu.wait_dma2 semaphore(%run_scoped3A : memref<!tpu.dma_semaphore, #tpu.memory_space<semaphore_mem>>) src(%arg11 : memref<80x128xf32, #tpu.memory_space<vmem>>) dst(%dma_wait3A_150 : memref<80x128xf32, #tpu.memory_space<vmem_shared>>)
      tpu.yield
    }) : () -> ()
    %mul3A_19 = arith.constant 640 : i32
    %mul3A_20 = arith.muli %arg1, %mul3A_19 : i32
    %add3A_21 = arith.constant 320 : i32
    %add3A_22 = arith.addi %mul3A_20, %add3A_21 : i32
    "tpu.region"() ({
      %run_scoped3A = tpu.sem_alloc : memref<!tpu.dma_semaphore, #tpu.memory_space<semaphore_mem>>
      %dma_start3A = arith.constant 0 : i32
      %dma_start3A_145 = tpu.memref_slice %arg13[%add3A_22, %dma_start3A] : memref<10240x128xf32, #tpu.memory_space<vmem_shared>> -> memref<80x128xf32, #tpu.memory_space<vmem_shared>>
      %dma_start3A_146 = arith.constant 0 : i32
      %dma_start3A_147 = tpu.memref_slice %arg13[%add3A_22, %dma_start3A_146] : memref<10240x128xf32, #tpu.memory_space<vmem_shared>> -> memref<80x128xf32, #tpu.memory_space<vmem_shared>>
      tpu.enqueue_dma source(%arg11 : memref<80x128xf32, #tpu.memory_space<vmem>>) target(%dma_start3A_147 : memref<80x128xf32, #tpu.memory_space<vmem_shared>>) target_semaphore(%run_scoped3A : memref<!tpu.dma_semaphore, #tpu.memory_space<semaphore_mem>>)
      %dma_wait3A = arith.constant 0 : i32
      %dma_wait3A_148 = tpu.memref_slice %arg13[%add3A_22, %dma_wait3A] : memref<10240x128xf32, #tpu.memory_space<vmem_shared>> -> memref<80x128xf32, #tpu.memory_space<vmem_shared>>
      %dma_wait3A_149 = arith.constant 0 : i32
      %dma_wait3A_150 = tpu.memref_slice %arg13[%add3A_22, %dma_wait3A_149] : memref<10240x128xf32, #tpu.memory_space<vmem_shared>> -> memref<80x128xf32, #tpu.memory_space<vmem_shared>>
      tpu.wait_dma2 semaphore(%run_scoped3A : memref<!tpu.dma_semaphore, #tpu.memory_space<semaphore_mem>>) src(%arg11 : memref<80x128xf32, #tpu.memory_space<vmem>>) dst(%dma_wait3A_150 : memref<80x128xf32, #tpu.memory_space<vmem_shared>>)
      tpu.yield
    }) : () -> ()
    %mul3A_23 = arith.constant 640 : i32
    %mul3A_24 = arith.muli %arg1, %mul3A_23 : i32
    %add3A_25 = arith.constant 400 : i32
    %add3A_26 = arith.addi %mul3A_24, %add3A_25 : i32
    "tpu.region"() ({
      %run_scoped3A = tpu.sem_alloc : memref<!tpu.dma_semaphore, #tpu.memory_space<semaphore_mem>>
      %dma_start3A = arith.constant 0 : i32
      %dma_start3A_145 = tpu.memref_slice %arg13[%add3A_26, %dma_start3A] : memref<10240x128xf32, #tpu.memory_space<vmem_shared>> -> memref<80x128xf32, #tpu.memory_space<vmem_shared>>
      %dma_start3A_146 = arith.constant 0 : i32
      %dma_start3A_147 = tpu.memref_slice %arg13[%add3A_26, %dma_start3A_146] : memref<10240x128xf32, #tpu.memory_space<vmem_shared>> -> memref<80x128xf32, #tpu.memory_space<vmem_shared>>
      tpu.enqueue_dma source(%arg11 : memref<80x128xf32, #tpu.memory_space<vmem>>) target(%dma_start3A_147 : memref<80x128xf32, #tpu.memory_space<vmem_shared>>) target_semaphore(%run_scoped3A : memref<!tpu.dma_semaphore, #tpu.memory_space<semaphore_mem>>)
      %dma_wait3A = arith.constant 0 : i32
      %dma_wait3A_148 = tpu.memref_slice %arg13[%add3A_26, %dma_wait3A] : memref<10240x128xf32, #tpu.memory_space<vmem_shared>> -> memref<80x128xf32, #tpu.memory_space<vmem_shared>>
      %dma_wait3A_149 = arith.constant 0 : i32
      %dma_wait3A_150 = tpu.memref_slice %arg13[%add3A_26, %dma_wait3A_149] : memref<10240x128xf32, #tpu.memory_space<vmem_shared>> -> memref<80x128xf32, #tpu.memory_space<vmem_shared>>
      tpu.wait_dma2 semaphore(%run_scoped3A : memref<!tpu.dma_semaphore, #tpu.memory_space<semaphore_mem>>) src(%arg11 : memref<80x128xf32, #tpu.memory_space<vmem>>) dst(%dma_wait3A_150 : memref<80x128xf32, #tpu.memory_space<vmem_shared>>)
      tpu.yield
    }) : () -> ()
    %mul3A_27 = arith.constant 640 : i32
    %mul3A_28 = arith.muli %arg1, %mul3A_27 : i32
    %add3A_29 = arith.constant 480 : i32
    %add3A_30 = arith.addi %mul3A_28, %add3A_29 : i32
    "tpu.region"() ({
      %run_scoped3A = tpu.sem_alloc : memref<!tpu.dma_semaphore, #tpu.memory_space<semaphore_mem>>
      %dma_start3A = arith.constant 0 : i32
      %dma_start3A_145 = tpu.memref_slice %arg13[%add3A_30, %dma_start3A] : memref<10240x128xf32, #tpu.memory_space<vmem_shared>> -> memref<80x128xf32, #tpu.memory_space<vmem_shared>>
      %dma_start3A_146 = arith.constant 0 : i32
      %dma_start3A_147 = tpu.memref_slice %arg13[%add3A_30, %dma_start3A_146] : memref<10240x128xf32, #tpu.memory_space<vmem_shared>> -> memref<80x128xf32, #tpu.memory_space<vmem_shared>>
      tpu.enqueue_dma source(%arg11 : memref<80x128xf32, #tpu.memory_space<vmem>>) target(%dma_start3A_147 : memref<80x128xf32, #tpu.memory_space<vmem_shared>>) target_semaphore(%run_scoped3A : memref<!tpu.dma_semaphore, #tpu.memory_space<semaphore_mem>>)
      %dma_wait3A = arith.constant 0 : i32
      %dma_wait3A_148 = tpu.memref_slice %arg13[%add3A_30, %dma_wait3A] : memref<10240x128xf32, #tpu.memory_space<vmem_shared>> -> memref<80x128xf32, #tpu.memory_space<vmem_shared>>
      %dma_wait3A_149 = arith.constant 0 : i32
      %dma_wait3A_150 = tpu.memref_slice %arg13[%add3A_30, %dma_wait3A_149] : memref<10240x128xf32, #tpu.memory_space<vmem_shared>> -> memref<80x128xf32, #tpu.memory_space<vmem_shared>>
      tpu.wait_dma2 semaphore(%run_scoped3A : memref<!tpu.dma_semaphore, #tpu.memory_space<semaphore_mem>>) src(%arg11 : memref<80x128xf32, #tpu.memory_space<vmem>>) dst(%dma_wait3A_150 : memref<80x128xf32, #tpu.memory_space<vmem_shared>>)
      tpu.yield
    }) : () -> ()
    %mul3A_31 = arith.constant 640 : i32
    %mul3A_32 = arith.muli %arg1, %mul3A_31 : i32
    %add3A_33 = arith.constant 560 : i32
    %add3A_34 = arith.addi %mul3A_32, %add3A_33 : i32
    "tpu.region"() ({
      %run_scoped3A = tpu.sem_alloc : memref<!tpu.dma_semaphore, #tpu.memory_space<semaphore_mem>>
      %dma_start3A = arith.constant 0 : i32
      %dma_start3A_145 = tpu.memref_slice %arg13[%add3A_34, %dma_start3A] : memref<10240x128xf32, #tpu.memory_space<vmem_shared>> -> memref<80x128xf32, #tpu.memory_space<vmem_shared>>
      %dma_start3A_146 = arith.constant 0 : i32
      %dma_start3A_147 = tpu.memref_slice %arg13[%add3A_34, %dma_start3A_146] : memref<10240x128xf32, #tpu.memory_space<vmem_shared>> -> memref<80x128xf32, #tpu.memory_space<vmem_shared>>
      tpu.enqueue_dma source(%arg11 : memref<80x128xf32, #tpu.memory_space<vmem>>) target(%dma_start3A_147 : memref<80x128xf32, #tpu.memory_space<vmem_shared>>) target_semaphore(%run_scoped3A : memref<!tpu.dma_semaphore, #tpu.memory_space<semaphore_mem>>)
      %dma_wait3A = arith.constant 0 : i32
      %dma_wait3A_148 = tpu.memref_slice %arg13[%add3A_34, %dma_wait3A] : memref<10240x128xf32, #tpu.memory_space<vmem_shared>> -> memref<80x128xf32, #tpu.memory_space<vmem_shared>>
      %dma_wait3A_149 = arith.constant 0 : i32
      %dma_wait3A_150 = tpu.memref_slice %arg13[%add3A_34, %dma_wait3A_149] : memref<10240x128xf32, #tpu.memory_space<vmem_shared>> -> memref<80x128xf32, #tpu.memory_space<vmem_shared>>
      tpu.wait_dma2 semaphore(%run_scoped3A : memref<!tpu.dma_semaphore, #tpu.memory_space<semaphore_mem>>) src(%arg11 : memref<80x128xf32, #tpu.memory_space<vmem>>) dst(%dma_wait3A_150 : memref<80x128xf32, #tpu.memory_space<vmem_shared>>)
      tpu.yield
    }) : () -> ()
    "tpu.region"() ({
      %run_scoped3A = tpu.sem_alloc : memref<!tpu.dma_semaphore, #tpu.memory_space<semaphore_mem>>
      tpu.enqueue_dma source(%arg6 : memref<80x128xf32, #tpu.memory_space<hbm>>) target(%arg12 : memref<80x128xf32, #tpu.memory_space<vmem>>) target_semaphore(%run_scoped3A : memref<!tpu.dma_semaphore, #tpu.memory_space<semaphore_mem>>)
      tpu.wait_dma2 semaphore(%run_scoped3A : memref<!tpu.dma_semaphore, #tpu.memory_space<semaphore_mem>>) src(%arg6 : memref<80x128xf32, #tpu.memory_space<hbm>>) dst(%arg12 : memref<80x128xf32, #tpu.memory_space<vmem>>)
      tpu.yield
    }) : () -> ()
    %barrier3A = arith.constant 0 : index
    tpu.barrier barrier_id(%barrier3A)
    %scan3A = arith.constant 0 : i32
    %scan3A_35 = arith.constant 0 : i32
    %scan3A_36 = arith.constant 125 : i32
    %scan3A_37 = arith.addi %scan3A_35, %scan3A_36 : i32
    %scan3A_38 = arith.constant 1 : i32
    scf.for %scan3A_145 = %scan3A_35 to %scan3A_37 step %scan3A_38  : i32 {
      %mul3A_146 = arith.constant 80 : i32
      %mul3A_147 = arith.muli %scan3A_145, %mul3A_146 : i32
      %add3A_148 = arith.addi %mul3A_2, %mul3A_147 : i32
      "tpu.region"() ({
        %run_scoped3A = tpu.sem_alloc : memref<!tpu.dma_semaphore, #tpu.memory_space<semaphore_mem>>
        %dma_start3A_153 = tpu.memref_slice %arg2[%add3A_148] : memref<320000xi32, #tpu.memory_space<hbm>> -> memref<80xi32, #tpu.memory_space<hbm>>
        %dma_start3A_154 = tpu.memref_slice %arg2[%add3A_148] : memref<320000xi32, #tpu.memory_space<hbm>> -> memref<80xi32, #tpu.memory_space<hbm>>
        tpu.enqueue_dma source(%dma_start3A_154 : memref<80xi32, #tpu.memory_space<hbm>>) target(%arg9 : memref<80xi32, #tpu.memory_space<vmem>>) target_semaphore(%run_scoped3A : memref<!tpu.dma_semaphore, #tpu.memory_space<semaphore_mem>>)
        %dma_wait3A_155 = tpu.memref_slice %arg2[%add3A_148] : memref<320000xi32, #tpu.memory_space<hbm>> -> memref<80xi32, #tpu.memory_space<hbm>>
        %dma_wait3A_156 = tpu.memref_slice %arg2[%add3A_148] : memref<320000xi32, #tpu.memory_space<hbm>> -> memref<80xi32, #tpu.memory_space<hbm>>
        tpu.wait_dma2 semaphore(%run_scoped3A : memref<!tpu.dma_semaphore, #tpu.memory_space<semaphore_mem>>) src(%dma_wait3A_156 : memref<80xi32, #tpu.memory_space<hbm>>) dst(%arg9 : memref<80xi32, #tpu.memory_space<vmem>>)
        tpu.yield
      }) : () -> ()
      "tpu.region"() ({
        %run_scoped3A = tpu.sem_alloc : memref<!tpu.dma_semaphore, #tpu.memory_space<semaphore_mem>>
        %dma_start3A_153 = tpu.memref_slice %arg3[%add3A_148] : memref<320000xi32, #tpu.memory_space<hbm>> -> memref<80xi32, #tpu.memory_space<hbm>>
        %dma_start3A_154 = tpu.memref_slice %arg3[%add3A_148] : memref<320000xi32, #tpu.memory_space<hbm>> -> memref<80xi32, #tpu.memory_space<hbm>>
        tpu.enqueue_dma source(%dma_start3A_154 : memref<80xi32, #tpu.memory_space<hbm>>) target(%arg10 : memref<80xi32, #tpu.memory_space<vmem>>) target_semaphore(%run_scoped3A : memref<!tpu.dma_semaphore, #tpu.memory_space<semaphore_mem>>)
        %dma_wait3A_155 = tpu.memref_slice %arg3[%add3A_148] : memref<320000xi32, #tpu.memory_space<hbm>> -> memref<80xi32, #tpu.memory_space<hbm>>
        %dma_wait3A_156 = tpu.memref_slice %arg3[%add3A_148] : memref<320000xi32, #tpu.memory_space<hbm>> -> memref<80xi32, #tpu.memory_space<hbm>>
        tpu.wait_dma2 semaphore(%run_scoped3A : memref<!tpu.dma_semaphore, #tpu.memory_space<semaphore_mem>>) src(%dma_wait3A_156 : memref<80xi32, #tpu.memory_space<hbm>>) dst(%arg10 : memref<80xi32, #tpu.memory_space<vmem>>)
        tpu.yield
      }) : () -> ()
      %dma_start3A = arith.constant 0 : i32
      %dma_start3A_149 = arith.constant 0 : i32
      %dma_start3A_150 = tpu.memref_slice %arg4[%dma_start3A, %dma_start3A_149] : memref<10000x128xf32, #tpu.memory_space<hbm>> -> memref<10000x128xf32, #tpu.memory_space<hbm>>
      tpu.enqueue_indirect_dma source(%dma_start3A_150 : memref<10000x128xf32, #tpu.memory_space<hbm>>) target(%arg11 : memref<80x128xf32, #tpu.memory_space<vmem>>) offsets(%arg9 : memref<80xi32, #tpu.memory_space<vmem>>) semaphore(%arg14 : memref<!tpu.dma_semaphore, #tpu.memory_space<semaphore_mem>>)
      %dma_wait3A = arith.constant 0 : i32
      %dma_wait3A_151 = arith.constant 0 : i32
      %dma_wait3A_152 = tpu.memref_slice %arg4[%dma_wait3A, %dma_wait3A_151] : memref<10000x128xf32, #tpu.memory_space<hbm>> -> memref<10000x128xf32, #tpu.memory_space<hbm>>
      tpu.wait_indirect_dma semaphore(%arg14 : memref<!tpu.dma_semaphore, #tpu.memory_space<semaphore_mem>>) src(%dma_wait3A_152 : memref<10000x128xf32, #tpu.memory_space<hbm>>) dst(%arg11 : memref<80x128xf32, #tpu.memory_space<vmem>>)
      "tpu.region"() ({
        %run_scoped3A = tpu.sem_alloc : memref<!tpu.dma_semaphore, #tpu.memory_space<semaphore_mem>>
        %dma_start3A_153 = arith.constant 0 : i32
        %dma_start3A_154 = arith.constant 0 : i32
        %dma_start3A_155 = tpu.memref_slice %arg13[%dma_start3A_153, %dma_start3A_154] : memref<10240x128xf32, #tpu.memory_space<vmem_shared>> -> memref<10240x128xf32, #tpu.memory_space<vmem_shared>>
        tpu.enqueue_indirect_dma source(%arg11 : memref<80x128xf32, #tpu.memory_space<vmem>>) target(%dma_start3A_155 : memref<10240x128xf32, #tpu.memory_space<vmem_shared>>) offsets(%arg10 : memref<80xi32, #tpu.memory_space<vmem>>) semaphore(%run_scoped3A : memref<!tpu.dma_semaphore, #tpu.memory_space<semaphore_mem>>) {add = true}
        %dma_wait3A_156 = arith.constant 0 : i32
        %dma_wait3A_157 = arith.constant 0 : i32
        %dma_wait3A_158 = tpu.memref_slice %arg13[%dma_wait3A_156, %dma_wait3A_157] : memref<10240x128xf32, #tpu.memory_space<vmem_shared>> -> memref<10240x128xf32, #tpu.memory_space<vmem_shared>>
        tpu.wait_indirect_dma semaphore(%run_scoped3A : memref<!tpu.dma_semaphore, #tpu.memory_space<semaphore_mem>>) src(%arg11 : memref<80x128xf32, #tpu.memory_space<vmem>>) dst(%dma_wait3A_158 : memref<10240x128xf32, #tpu.memory_space<vmem_shared>>)
        tpu.yield
      }) : () -> ()
    }
    %scan3A_39 = arith.constant 125 : i32
    %barrier3A_40 = arith.constant 0 : index
    tpu.barrier barrier_id(%barrier3A_40)
    %mul3A_41 = arith.constant 640 : i32
    %mul3A_42 = arith.muli %arg1, %mul3A_41 : i32
    %add3A_43 = arith.constant 0 : i32
    %add3A_44 = arith.addi %mul3A_42, %add3A_43 : i32
    "tpu.region"() ({
      %run_scoped3A = tpu.sem_alloc : memref<!tpu.dma_semaphore, #tpu.memory_space<semaphore_mem>>
      %dma_start3A = arith.constant 0 : i32
      %dma_start3A_145 = tpu.memref_slice %arg13[%add3A_44, %dma_start3A] : memref<10240x128xf32, #tpu.memory_space<vmem_shared>> -> memref<80x128xf32, #tpu.memory_space<vmem_shared>>
      %dma_start3A_146 = arith.constant 0 : i32
      %dma_start3A_147 = tpu.memref_slice %arg13[%add3A_44, %dma_start3A_146] : memref<10240x128xf32, #tpu.memory_space<vmem_shared>> -> memref<80x128xf32, #tpu.memory_space<vmem_shared>>
      tpu.enqueue_dma source(%dma_start3A_147 : memref<80x128xf32, #tpu.memory_space<vmem_shared>>) target(%arg11 : memref<80x128xf32, #tpu.memory_space<vmem>>) target_semaphore(%run_scoped3A : memref<!tpu.dma_semaphore, #tpu.memory_space<semaphore_mem>>)
      %dma_wait3A = arith.constant 0 : i32
      %dma_wait3A_148 = tpu.memref_slice %arg13[%add3A_44, %dma_wait3A] : memref<10240x128xf32, #tpu.memory_space<vmem_shared>> -> memref<80x128xf32, #tpu.memory_space<vmem_shared>>
      %dma_wait3A_149 = arith.constant 0 : i32
      %dma_wait3A_150 = tpu.memref_slice %arg13[%add3A_44, %dma_wait3A_149] : memref<10240x128xf32, #tpu.memory_space<vmem_shared>> -> memref<80x128xf32, #tpu.memory_space<vmem_shared>>
      tpu.wait_dma2 semaphore(%run_scoped3A : memref<!tpu.dma_semaphore, #tpu.memory_space<semaphore_mem>>) src(%dma_wait3A_150 : memref<80x128xf32, #tpu.memory_space<vmem_shared>>) dst(%arg11 : memref<80x128xf32, #tpu.memory_space<vmem>>)
      tpu.yield
    }) : () -> ()
    "tpu.region"() ({
      %run_scoped3A = tpu.sem_alloc : memref<!tpu.dma_semaphore, #tpu.memory_space<semaphore_mem>>
      %dma_start3A = arith.constant 0 : i32
      %dma_start3A_145 = tpu.memref_slice %arg7[%arg0, %add3A_44, %dma_start3A] : memref<2x10240x128xf32, #tpu.memory_space<hbm>> -> memref<1x80x128xf32, #tpu.memory_space<hbm>>
      %dma_start3A_146 = tpu.memref_squeeze %dma_start3A_145 : memref<1x80x128xf32, #tpu.memory_space<hbm>> -> memref<80x128xf32, #tpu.memory_space<hbm>>
      %dma_start3A_147 = arith.constant 0 : i32
      %dma_start3A_148 = tpu.memref_slice %arg7[%arg0, %add3A_44, %dma_start3A_147] : memref<2x10240x128xf32, #tpu.memory_space<hbm>> -> memref<1x80x128xf32, #tpu.memory_space<hbm>>
      %dma_start3A_149 = tpu.memref_squeeze %dma_start3A_148 : memref<1x80x128xf32, #tpu.memory_space<hbm>> -> memref<80x128xf32, #tpu.memory_space<hbm>>
      tpu.enqueue_dma source(%arg11 : memref<80x128xf32, #tpu.memory_space<vmem>>) target(%dma_start3A_149 : memref<80x128xf32, #tpu.memory_space<hbm>>) target_semaphore(%run_scoped3A : memref<!tpu.dma_semaphore, #tpu.memory_space<semaphore_mem>>)
      %dma_wait3A = arith.constant 0 : i32
      %dma_wait3A_150 = tpu.memref_slice %arg7[%arg0, %add3A_44, %dma_wait3A] : memref<2x10240x128xf32, #tpu.memory_space<hbm>> -> memref<1x80x128xf32, #tpu.memory_space<hbm>>
      %dma_wait3A_151 = tpu.memref_squeeze %dma_wait3A_150 : memref<1x80x128xf32, #tpu.memory_space<hbm>> -> memref<80x128xf32, #tpu.memory_space<hbm>>
      %dma_wait3A_152 = arith.constant 0 : i32
      %dma_wait3A_153 = tpu.memref_slice %arg7[%arg0, %add3A_44, %dma_wait3A_152] : memref<2x10240x128xf32, #tpu.memory_space<hbm>> -> memref<1x80x128xf32, #tpu.memory_space<hbm>>
      %dma_wait3A_154 = tpu.memref_squeeze %dma_wait3A_153 : memref<1x80x128xf32, #tpu.memory_space<hbm>> -> memref<80x128xf32, #tpu.memory_space<hbm>>
      tpu.wait_dma2 semaphore(%run_scoped3A : memref<!tpu.dma_semaphore, #tpu.memory_space<semaphore_mem>>) src(%arg11 : memref<80x128xf32, #tpu.memory_space<vmem>>) dst(%dma_wait3A_154 : memref<80x128xf32, #tpu.memory_space<hbm>>)
      tpu.yield
    }) : () -> ()
    %mul3A_45 = arith.constant 640 : i32
    %mul3A_46 = arith.muli %arg1, %mul3A_45 : i32
    %add3A_47 = arith.constant 80 : i32
    %add3A_48 = arith.addi %mul3A_46, %add3A_47 : i32
    "tpu.region"() ({
      %run_scoped3A = tpu.sem_alloc : memref<!tpu.dma_semaphore, #tpu.memory_space<semaphore_mem>>
      %dma_start3A = arith.constant 0 : i32
      %dma_start3A_145 = tpu.memref_slice %arg13[%add3A_48, %dma_start3A] : memref<10240x128xf32, #tpu.memory_space<vmem_shared>> -> memref<80x128xf32, #tpu.memory_space<vmem_shared>>
      %dma_start3A_146 = arith.constant 0 : i32
      %dma_start3A_147 = tpu.memref_slice %arg13[%add3A_48, %dma_start3A_146] : memref<10240x128xf32, #tpu.memory_space<vmem_shared>> -> memref<80x128xf32, #tpu.memory_space<vmem_shared>>
      tpu.enqueue_dma source(%dma_start3A_147 : memref<80x128xf32, #tpu.memory_space<vmem_shared>>) target(%arg11 : memref<80x128xf32, #tpu.memory_space<vmem>>) target_semaphore(%run_scoped3A : memref<!tpu.dma_semaphore, #tpu.memory_space<semaphore_mem>>)
      %dma_wait3A = arith.constant 0 : i32
      %dma_wait3A_148 = tpu.memref_slice %arg13[%add3A_48, %dma_wait3A] : memref<10240x128xf32, #tpu.memory_space<vmem_shared>> -> memref<80x128xf32, #tpu.memory_space<vmem_shared>>
      %dma_wait3A_149 = arith.constant 0 : i32
      %dma_wait3A_150 = tpu.memref_slice %arg13[%add3A_48, %dma_wait3A_149] : memref<10240x128xf32, #tpu.memory_space<vmem_shared>> -> memref<80x128xf32, #tpu.memory_space<vmem_shared>>
      tpu.wait_dma2 semaphore(%run_scoped3A : memref<!tpu.dma_semaphore, #tpu.memory_space<semaphore_mem>>) src(%dma_wait3A_150 : memref<80x128xf32, #tpu.memory_space<vmem_shared>>) dst(%arg11 : memref<80x128xf32, #tpu.memory_space<vmem>>)
      tpu.yield
    }) : () -> ()
    "tpu.region"() ({
      %run_scoped3A = tpu.sem_alloc : memref<!tpu.dma_semaphore, #tpu.memory_space<semaphore_mem>>
      %dma_start3A = arith.constant 0 : i32
      %dma_start3A_145 = tpu.memref_slice %arg7[%arg0, %add3A_48, %dma_start3A] : memref<2x10240x128xf32, #tpu.memory_space<hbm>> -> memref<1x80x128xf32, #tpu.memory_space<hbm>>
      %dma_start3A_146 = tpu.memref_squeeze %dma_start3A_145 : memref<1x80x128xf32, #tpu.memory_space<hbm>> -> memref<80x128xf32, #tpu.memory_space<hbm>>
      %dma_start3A_147 = arith.constant 0 : i32
      %dma_start3A_148 = tpu.memref_slice %arg7[%arg0, %add3A_48, %dma_start3A_147] : memref<2x10240x128xf32, #tpu.memory_space<hbm>> -> memref<1x80x128xf32, #tpu.memory_space<hbm>>
      %dma_start3A_149 = tpu.memref_squeeze %dma_start3A_148 : memref<1x80x128xf32, #tpu.memory_space<hbm>> -> memref<80x128xf32, #tpu.memory_space<hbm>>
      tpu.enqueue_dma source(%arg11 : memref<80x128xf32, #tpu.memory_space<vmem>>) target(%dma_start3A_149 : memref<80x128xf32, #tpu.memory_space<hbm>>) target_semaphore(%run_scoped3A : memref<!tpu.dma_semaphore, #tpu.memory_space<semaphore_mem>>)
      %dma_wait3A = arith.constant 0 : i32
      %dma_wait3A_150 = tpu.memref_slice %arg7[%arg0, %add3A_48, %dma_wait3A] : memref<2x10240x128xf32, #tpu.memory_space<hbm>> -> memref<1x80x128xf32, #tpu.memory_space<hbm>>
      %dma_wait3A_151 = tpu.memref_squeeze %dma_wait3A_150 : memref<1x80x128xf32, #tpu.memory_space<hbm>> -> memref<80x128xf32, #tpu.memory_space<hbm>>
      %dma_wait3A_152 = arith.constant 0 : i32
      %dma_wait3A_153 = tpu.memref_slice %arg7[%arg0, %add3A_48, %dma_wait3A_152] : memref<2x10240x128xf32, #tpu.memory_space<hbm>> -> memref<1x80x128xf32, #tpu.memory_space<hbm>>
      %dma_wait3A_154 = tpu.memref_squeeze %dma_wait3A_153 : memref<1x80x128xf32, #tpu.memory_space<hbm>> -> memref<80x128xf32, #tpu.memory_space<hbm>>
      tpu.wait_dma2 semaphore(%run_scoped3A : memref<!tpu.dma_semaphore, #tpu.memory_space<semaphore_mem>>) src(%arg11 : memref<80x128xf32, #tpu.memory_space<vmem>>) dst(%dma_wait3A_154 : memref<80x128xf32, #tpu.memory_space<hbm>>)
      tpu.yield
    }) : () -> ()
    %mul3A_49 = arith.constant 640 : i32
    %mul3A_50 = arith.muli %arg1, %mul3A_49 : i32
    %add3A_51 = arith.constant 160 : i32
    %add3A_52 = arith.addi %mul3A_50, %add3A_51 : i32
    "tpu.region"() ({
      %run_scoped3A = tpu.sem_alloc : memref<!tpu.dma_semaphore, #tpu.memory_space<semaphore_mem>>
      %dma_start3A = arith.constant 0 : i32
      %dma_start3A_145 = tpu.memref_slice %arg13[%add3A_52, %dma_start3A] : memref<10240x128xf32, #tpu.memory_space<vmem_shared>> -> memref<80x128xf32, #tpu.memory_space<vmem_shared>>
      %dma_start3A_146 = arith.constant 0 : i32
      %dma_start3A_147 = tpu.memref_slice %arg13[%add3A_52, %dma_start3A_146] : memref<10240x128xf32, #tpu.memory_space<vmem_shared>> -> memref<80x128xf32, #tpu.memory_space<vmem_shared>>
      tpu.enqueue_dma source(%dma_start3A_147 : memref<80x128xf32, #tpu.memory_space<vmem_shared>>) target(%arg11 : memref<80x128xf32, #tpu.memory_space<vmem>>) target_semaphore(%run_scoped3A : memref<!tpu.dma_semaphore, #tpu.memory_space<semaphore_mem>>)
      %dma_wait3A = arith.constant 0 : i32
      %dma_wait3A_148 = tpu.memref_slice %arg13[%add3A_52, %dma_wait3A] : memref<10240x128xf32, #tpu.memory_space<vmem_shared>> -> memref<80x128xf32, #tpu.memory_space<vmem_shared>>
      %dma_wait3A_149 = arith.constant 0 : i32
      %dma_wait3A_150 = tpu.memref_slice %arg13[%add3A_52, %dma_wait3A_149] : memref<10240x128xf32, #tpu.memory_space<vmem_shared>> -> memref<80x128xf32, #tpu.memory_space<vmem_shared>>
      tpu.wait_dma2 semaphore(%run_scoped3A : memref<!tpu.dma_semaphore, #tpu.memory_space<semaphore_mem>>) src(%dma_wait3A_150 : memref<80x128xf32, #tpu.memory_space<vmem_shared>>) dst(%arg11 : memref<80x128xf32, #tpu.memory_space<vmem>>)
      tpu.yield
    }) : () -> ()
    "tpu.region"() ({
      %run_scoped3A = tpu.sem_alloc : memref<!tpu.dma_semaphore, #tpu.memory_space<semaphore_mem>>
      %dma_start3A = arith.constant 0 : i32
      %dma_start3A_145 = tpu.memref_slice %arg7[%arg0, %add3A_52, %dma_start3A] : memref<2x10240x128xf32, #tpu.memory_space<hbm>> -> memref<1x80x128xf32, #tpu.memory_space<hbm>>
      %dma_start3A_146 = tpu.memref_squeeze %dma_start3A_145 : memref<1x80x128xf32, #tpu.memory_space<hbm>> -> memref<80x128xf32, #tpu.memory_space<hbm>>
      %dma_start3A_147 = arith.constant 0 : i32
      %dma_start3A_148 = tpu.memref_slice %arg7[%arg0, %add3A_52, %dma_start3A_147] : memref<2x10240x128xf32, #tpu.memory_space<hbm>> -> memref<1x80x128xf32, #tpu.memory_space<hbm>>
      %dma_start3A_149 = tpu.memref_squeeze %dma_start3A_148 : memref<1x80x128xf32, #tpu.memory_space<hbm>> -> memref<80x128xf32, #tpu.memory_space<hbm>>
      tpu.enqueue_dma source(%arg11 : memref<80x128xf32, #tpu.memory_space<vmem>>) target(%dma_start3A_149 : memref<80x128xf32, #tpu.memory_space<hbm>>) target_semaphore(%run_scoped3A : memref<!tpu.dma_semaphore, #tpu.memory_space<semaphore_mem>>)
      %dma_wait3A = arith.constant 0 : i32
      %dma_wait3A_150 = tpu.memref_slice %arg7[%arg0, %add3A_52, %dma_wait3A] : memref<2x10240x128xf32, #tpu.memory_space<hbm>> -> memref<1x80x128xf32, #tpu.memory_space<hbm>>
      %dma_wait3A_151 = tpu.memref_squeeze %dma_wait3A_150 : memref<1x80x128xf32, #tpu.memory_space<hbm>> -> memref<80x128xf32, #tpu.memory_space<hbm>>
      %dma_wait3A_152 = arith.constant 0 : i32
      %dma_wait3A_153 = tpu.memref_slice %arg7[%arg0, %add3A_52, %dma_wait3A_152] : memref<2x10240x128xf32, #tpu.memory_space<hbm>> -> memref<1x80x128xf32, #tpu.memory_space<hbm>>
      %dma_wait3A_154 = tpu.memref_squeeze %dma_wait3A_153 : memref<1x80x128xf32, #tpu.memory_space<hbm>> -> memref<80x128xf32, #tpu.memory_space<hbm>>
      tpu.wait_dma2 semaphore(%run_scoped3A : memref<!tpu.dma_semaphore, #tpu.memory_space<semaphore_mem>>) src(%arg11 : memref<80x128xf32, #tpu.memory_space<vmem>>) dst(%dma_wait3A_154 : memref<80x128xf32, #tpu.memory_space<hbm>>)
      tpu.yield
    }) : () -> ()
    %mul3A_53 = arith.constant 640 : i32
    %mul3A_54 = arith.muli %arg1, %mul3A_53 : i32
    %add3A_55 = arith.constant 240 : i32
    %add3A_56 = arith.addi %mul3A_54, %add3A_55 : i32
    "tpu.region"() ({
      %run_scoped3A = tpu.sem_alloc : memref<!tpu.dma_semaphore, #tpu.memory_space<semaphore_mem>>
      %dma_start3A = arith.constant 0 : i32
      %dma_start3A_145 = tpu.memref_slice %arg13[%add3A_56, %dma_start3A] : memref<10240x128xf32, #tpu.memory_space<vmem_shared>> -> memref<80x128xf32, #tpu.memory_space<vmem_shared>>
      %dma_start3A_146 = arith.constant 0 : i32
      %dma_start3A_147 = tpu.memref_slice %arg13[%add3A_56, %dma_start3A_146] : memref<10240x128xf32, #tpu.memory_space<vmem_shared>> -> memref<80x128xf32, #tpu.memory_space<vmem_shared>>
      tpu.enqueue_dma source(%dma_start3A_147 : memref<80x128xf32, #tpu.memory_space<vmem_shared>>) target(%arg11 : memref<80x128xf32, #tpu.memory_space<vmem>>) target_semaphore(%run_scoped3A : memref<!tpu.dma_semaphore, #tpu.memory_space<semaphore_mem>>)
      %dma_wait3A = arith.constant 0 : i32
      %dma_wait3A_148 = tpu.memref_slice %arg13[%add3A_56, %dma_wait3A] : memref<10240x128xf32, #tpu.memory_space<vmem_shared>> -> memref<80x128xf32, #tpu.memory_space<vmem_shared>>
      %dma_wait3A_149 = arith.constant 0 : i32
      %dma_wait3A_150 = tpu.memref_slice %arg13[%add3A_56, %dma_wait3A_149] : memref<10240x128xf32, #tpu.memory_space<vmem_shared>> -> memref<80x128xf32, #tpu.memory_space<vmem_shared>>
      tpu.wait_dma2 semaphore(%run_scoped3A : memref<!tpu.dma_semaphore, #tpu.memory_space<semaphore_mem>>) src(%dma_wait3A_150 : memref<80x128xf32, #tpu.memory_space<vmem_shared>>) dst(%arg11 : memref<80x128xf32, #tpu.memory_space<vmem>>)
      tpu.yield
    }) : () -> ()
    "tpu.region"() ({
      %run_scoped3A = tpu.sem_alloc : memref<!tpu.dma_semaphore, #tpu.memory_space<semaphore_mem>>
      %dma_start3A = arith.constant 0 : i32
      %dma_start3A_145 = tpu.memref_slice %arg7[%arg0, %add3A_56, %dma_start3A] : memref<2x10240x128xf32, #tpu.memory_space<hbm>> -> memref<1x80x128xf32, #tpu.memory_space<hbm>>
      %dma_start3A_146 = tpu.memref_squeeze %dma_start3A_145 : memref<1x80x128xf32, #tpu.memory_space<hbm>> -> memref<80x128xf32, #tpu.memory_space<hbm>>
      %dma_start3A_147 = arith.constant 0 : i32
      %dma_start3A_148 = tpu.memref_slice %arg7[%arg0, %add3A_56, %dma_start3A_147] : memref<2x10240x128xf32, #tpu.memory_space<hbm>> -> memref<1x80x128xf32, #tpu.memory_space<hbm>>
      %dma_start3A_149 = tpu.memref_squeeze %dma_start3A_148 : memref<1x80x128xf32, #tpu.memory_space<hbm>> -> memref<80x128xf32, #tpu.memory_space<hbm>>
      tpu.enqueue_dma source(%arg11 : memref<80x128xf32, #tpu.memory_space<vmem>>) target(%dma_start3A_149 : memref<80x128xf32, #tpu.memory_space<hbm>>) target_semaphore(%run_scoped3A : memref<!tpu.dma_semaphore, #tpu.memory_space<semaphore_mem>>)
      %dma_wait3A = arith.constant 0 : i32
      %dma_wait3A_150 = tpu.memref_slice %arg7[%arg0, %add3A_56, %dma_wait3A] : memref<2x10240x128xf32, #tpu.memory_space<hbm>> -> memref<1x80x128xf32, #tpu.memory_space<hbm>>
      %dma_wait3A_151 = tpu.memref_squeeze %dma_wait3A_150 : memref<1x80x128xf32, #tpu.memory_space<hbm>> -> memref<80x128xf32, #tpu.memory_space<hbm>>
      %dma_wait3A_152 = arith.constant 0 : i32
      %dma_wait3A_153 = tpu.memref_slice %arg7[%arg0, %add3A_56, %dma_wait3A_152] : memref<2x10240x128xf32, #tpu.memory_space<hbm>> -> memref<1x80x128xf32, #tpu.memory_space<hbm>>
      %dma_wait3A_154 = tpu.memref_squeeze %dma_wait3A_153 : memref<1x80x128xf32, #tpu.memory_space<hbm>> -> memref<80x128xf32, #tpu.memory_space<hbm>>
      tpu.wait_dma2 semaphore(%run_scoped3A : memref<!tpu.dma_semaphore, #tpu.memory_space<semaphore_mem>>) src(%arg11 : memref<80x128xf32, #tpu.memory_space<vmem>>) dst(%dma_wait3A_154 : memref<80x128xf32, #tpu.memory_space<hbm>>)
      tpu.yield
    }) : () -> ()
    %mul3A_57 = arith.constant 640 : i32
    %mul3A_58 = arith.muli %arg1, %mul3A_57 : i32
    %add3A_59 = arith.constant 320 : i32
    %add3A_60 = arith.addi %mul3A_58, %add3A_59 : i32
    "tpu.region"() ({
      %run_scoped3A = tpu.sem_alloc : memref<!tpu.dma_semaphore, #tpu.memory_space<semaphore_mem>>
      %dma_start3A = arith.constant 0 : i32
      %dma_start3A_145 = tpu.memref_slice %arg13[%add3A_60, %dma_start3A] : memref<10240x128xf32, #tpu.memory_space<vmem_shared>> -> memref<80x128xf32, #tpu.memory_space<vmem_shared>>
      %dma_start3A_146 = arith.constant 0 : i32
      %dma_start3A_147 = tpu.memref_slice %arg13[%add3A_60, %dma_start3A_146] : memref<10240x128xf32, #tpu.memory_space<vmem_shared>> -> memref<80x128xf32, #tpu.memory_space<vmem_shared>>
      tpu.enqueue_dma source(%dma_start3A_147 : memref<80x128xf32, #tpu.memory_space<vmem_shared>>) target(%arg11 : memref<80x128xf32, #tpu.memory_space<vmem>>) target_semaphore(%run_scoped3A : memref<!tpu.dma_semaphore, #tpu.memory_space<semaphore_mem>>)
      %dma_wait3A = arith.constant 0 : i32
      %dma_wait3A_148 = tpu.memref_slice %arg13[%add3A_60, %dma_wait3A] : memref<10240x128xf32, #tpu.memory_space<vmem_shared>> -> memref<80x128xf32, #tpu.memory_space<vmem_shared>>
      %dma_wait3A_149 = arith.constant 0 : i32
      %dma_wait3A_150 = tpu.memref_slice %arg13[%add3A_60, %dma_wait3A_149] : memref<10240x128xf32, #tpu.memory_space<vmem_shared>> -> memref<80x128xf32, #tpu.memory_space<vmem_shared>>
      tpu.wait_dma2 semaphore(%run_scoped3A : memref<!tpu.dma_semaphore, #tpu.memory_space<semaphore_mem>>) src(%dma_wait3A_150 : memref<80x128xf32, #tpu.memory_space<vmem_shared>>) dst(%arg11 : memref<80x128xf32, #tpu.memory_space<vmem>>)
      tpu.yield
    }) : () -> ()
    "tpu.region"() ({
      %run_scoped3A = tpu.sem_alloc : memref<!tpu.dma_semaphore, #tpu.memory_space<semaphore_mem>>
      %dma_start3A = arith.constant 0 : i32
      %dma_start3A_145 = tpu.memref_slice %arg7[%arg0, %add3A_60, %dma_start3A] : memref<2x10240x128xf32, #tpu.memory_space<hbm>> -> memref<1x80x128xf32, #tpu.memory_space<hbm>>
      %dma_start3A_146 = tpu.memref_squeeze %dma_start3A_145 : memref<1x80x128xf32, #tpu.memory_space<hbm>> -> memref<80x128xf32, #tpu.memory_space<hbm>>
      %dma_start3A_147 = arith.constant 0 : i32
      %dma_start3A_148 = tpu.memref_slice %arg7[%arg0, %add3A_60, %dma_start3A_147] : memref<2x10240x128xf32, #tpu.memory_space<hbm>> -> memref<1x80x128xf32, #tpu.memory_space<hbm>>
      %dma_start3A_149 = tpu.memref_squeeze %dma_start3A_148 : memref<1x80x128xf32, #tpu.memory_space<hbm>> -> memref<80x128xf32, #tpu.memory_space<hbm>>
      tpu.enqueue_dma source(%arg11 : memref<80x128xf32, #tpu.memory_space<vmem>>) target(%dma_start3A_149 : memref<80x128xf32, #tpu.memory_space<hbm>>) target_semaphore(%run_scoped3A : memref<!tpu.dma_semaphore, #tpu.memory_space<semaphore_mem>>)
      %dma_wait3A = arith.constant 0 : i32
      %dma_wait3A_150 = tpu.memref_slice %arg7[%arg0, %add3A_60, %dma_wait3A] : memref<2x10240x128xf32, #tpu.memory_space<hbm>> -> memref<1x80x128xf32, #tpu.memory_space<hbm>>
      %dma_wait3A_151 = tpu.memref_squeeze %dma_wait3A_150 : memref<1x80x128xf32, #tpu.memory_space<hbm>> -> memref<80x128xf32, #tpu.memory_space<hbm>>
      %dma_wait3A_152 = arith.constant 0 : i32
      %dma_wait3A_153 = tpu.memref_slice %arg7[%arg0, %add3A_60, %dma_wait3A_152] : memref<2x10240x128xf32, #tpu.memory_space<hbm>> -> memref<1x80x128xf32, #tpu.memory_space<hbm>>
      %dma_wait3A_154 = tpu.memref_squeeze %dma_wait3A_153 : memref<1x80x128xf32, #tpu.memory_space<hbm>> -> memref<80x128xf32, #tpu.memory_space<hbm>>
      tpu.wait_dma2 semaphore(%run_scoped3A : memref<!tpu.dma_semaphore, #tpu.memory_space<semaphore_mem>>) src(%arg11 : memref<80x128xf32, #tpu.memory_space<vmem>>) dst(%dma_wait3A_154 : memref<80x128xf32, #tpu.memory_space<hbm>>)
      tpu.yield
    }) : () -> ()
    %mul3A_61 = arith.constant 640 : i32
    %mul3A_62 = arith.muli %arg1, %mul3A_61 : i32
    %add3A_63 = arith.constant 400 : i32
    %add3A_64 = arith.addi %mul3A_62, %add3A_63 : i32
    "tpu.region"() ({
      %run_scoped3A = tpu.sem_alloc : memref<!tpu.dma_semaphore, #tpu.memory_space<semaphore_mem>>
      %dma_start3A = arith.constant 0 : i32
      %dma_start3A_145 = tpu.memref_slice %arg13[%add3A_64, %dma_start3A] : memref<10240x128xf32, #tpu.memory_space<vmem_shared>> -> memref<80x128xf32, #tpu.memory_space<vmem_shared>>
      %dma_start3A_146 = arith.constant 0 : i32
      %dma_start3A_147 = tpu.memref_slice %arg13[%add3A_64, %dma_start3A_146] : memref<10240x128xf32, #tpu.memory_space<vmem_shared>> -> memref<80x128xf32, #tpu.memory_space<vmem_shared>>
      tpu.enqueue_dma source(%dma_start3A_147 : memref<80x128xf32, #tpu.memory_space<vmem_shared>>) target(%arg11 : memref<80x128xf32, #tpu.memory_space<vmem>>) target_semaphore(%run_scoped3A : memref<!tpu.dma_semaphore, #tpu.memory_space<semaphore_mem>>)
      %dma_wait3A = arith.constant 0 : i32
      %dma_wait3A_148 = tpu.memref_slice %arg13[%add3A_64, %dma_wait3A] : memref<10240x128xf32, #tpu.memory_space<vmem_shared>> -> memref<80x128xf32, #tpu.memory_space<vmem_shared>>
      %dma_wait3A_149 = arith.constant 0 : i32
      %dma_wait3A_150 = tpu.memref_slice %arg13[%add3A_64, %dma_wait3A_149] : memref<10240x128xf32, #tpu.memory_space<vmem_shared>> -> memref<80x128xf32, #tpu.memory_space<vmem_shared>>
      tpu.wait_dma2 semaphore(%run_scoped3A : memref<!tpu.dma_semaphore, #tpu.memory_space<semaphore_mem>>) src(%dma_wait3A_150 : memref<80x128xf32, #tpu.memory_space<vmem_shared>>) dst(%arg11 : memref<80x128xf32, #tpu.memory_space<vmem>>)
      tpu.yield
    }) : () -> ()
    "tpu.region"() ({
      %run_scoped3A = tpu.sem_alloc : memref<!tpu.dma_semaphore, #tpu.memory_space<semaphore_mem>>
      %dma_start3A = arith.constant 0 : i32
      %dma_start3A_145 = tpu.memref_slice %arg7[%arg0, %add3A_64, %dma_start3A] : memref<2x10240x128xf32, #tpu.memory_space<hbm>> -> memref<1x80x128xf32, #tpu.memory_space<hbm>>
      %dma_start3A_146 = tpu.memref_squeeze %dma_start3A_145 : memref<1x80x128xf32, #tpu.memory_space<hbm>> -> memref<80x128xf32, #tpu.memory_space<hbm>>
      %dma_start3A_147 = arith.constant 0 : i32
      %dma_start3A_148 = tpu.memref_slice %arg7[%arg0, %add3A_64, %dma_start3A_147] : memref<2x10240x128xf32, #tpu.memory_space<hbm>> -> memref<1x80x128xf32, #tpu.memory_space<hbm>>
      %dma_start3A_149 = tpu.memref_squeeze %dma_start3A_148 : memref<1x80x128xf32, #tpu.memory_space<hbm>> -> memref<80x128xf32, #tpu.memory_space<hbm>>
      tpu.enqueue_dma source(%arg11 : memref<80x128xf32, #tpu.memory_space<vmem>>) target(%dma_start3A_149 : memref<80x128xf32, #tpu.memory_space<hbm>>) target_semaphore(%run_scoped3A : memref<!tpu.dma_semaphore, #tpu.memory_space<semaphore_mem>>)
      %dma_wait3A = arith.constant 0 : i32
      %dma_wait3A_150 = tpu.memref_slice %arg7[%arg0, %add3A_64, %dma_wait3A] : memref<2x10240x128xf32, #tpu.memory_space<hbm>> -> memref<1x80x128xf32, #tpu.memory_space<hbm>>
      %dma_wait3A_151 = tpu.memref_squeeze %dma_wait3A_150 : memref<1x80x128xf32, #tpu.memory_space<hbm>> -> memref<80x128xf32, #tpu.memory_space<hbm>>
      %dma_wait3A_152 = arith.constant 0 : i32
      %dma_wait3A_153 = tpu.memref_slice %arg7[%arg0, %add3A_64, %dma_wait3A_152] : memref<2x10240x128xf32, #tpu.memory_space<hbm>> -> memref<1x80x128xf32, #tpu.memory_space<hbm>>
      %dma_wait3A_154 = tpu.memref_squeeze %dma_wait3A_153 : memref<1x80x128xf32, #tpu.memory_space<hbm>> -> memref<80x128xf32, #tpu.memory_space<hbm>>
      tpu.wait_dma2 semaphore(%run_scoped3A : memref<!tpu.dma_semaphore, #tpu.memory_space<semaphore_mem>>) src(%arg11 : memref<80x128xf32, #tpu.memory_space<vmem>>) dst(%dma_wait3A_154 : memref<80x128xf32, #tpu.memory_space<hbm>>)
      tpu.yield
    }) : () -> ()
    %mul3A_65 = arith.constant 640 : i32
    %mul3A_66 = arith.muli %arg1, %mul3A_65 : i32
    %add3A_67 = arith.constant 480 : i32
    %add3A_68 = arith.addi %mul3A_66, %add3A_67 : i32
    "tpu.region"() ({
      %run_scoped3A = tpu.sem_alloc : memref<!tpu.dma_semaphore, #tpu.memory_space<semaphore_mem>>
      %dma_start3A = arith.constant 0 : i32
      %dma_start3A_145 = tpu.memref_slice %arg13[%add3A_68, %dma_start3A] : memref<10240x128xf32, #tpu.memory_space<vmem_shared>> -> memref<80x128xf32, #tpu.memory_space<vmem_shared>>
      %dma_start3A_146 = arith.constant 0 : i32
      %dma_start3A_147 = tpu.memref_slice %arg13[%add3A_68, %dma_start3A_146] : memref<10240x128xf32, #tpu.memory_space<vmem_shared>> -> memref<80x128xf32, #tpu.memory_space<vmem_shared>>
      tpu.enqueue_dma source(%dma_start3A_147 : memref<80x128xf32, #tpu.memory_space<vmem_shared>>) target(%arg11 : memref<80x128xf32, #tpu.memory_space<vmem>>) target_semaphore(%run_scoped3A : memref<!tpu.dma_semaphore, #tpu.memory_space<semaphore_mem>>)
      %dma_wait3A = arith.constant 0 : i32
      %dma_wait3A_148 = tpu.memref_slice %arg13[%add3A_68, %dma_wait3A] : memref<10240x128xf32, #tpu.memory_space<vmem_shared>> -> memref<80x128xf32, #tpu.memory_space<vmem_shared>>
      %dma_wait3A_149 = arith.constant 0 : i32
      %dma_wait3A_150 = tpu.memref_slice %arg13[%add3A_68, %dma_wait3A_149] : memref<10240x128xf32, #tpu.memory_space<vmem_shared>> -> memref<80x128xf32, #tpu.memory_space<vmem_shared>>
      tpu.wait_dma2 semaphore(%run_scoped3A : memref<!tpu.dma_semaphore, #tpu.memory_space<semaphore_mem>>) src(%dma_wait3A_150 : memref<80x128xf32, #tpu.memory_space<vmem_shared>>) dst(%arg11 : memref<80x128xf32, #tpu.memory_space<vmem>>)
      tpu.yield
    }) : () -> ()
    "tpu.region"() ({
      %run_scoped3A = tpu.sem_alloc : memref<!tpu.dma_semaphore, #tpu.memory_space<semaphore_mem>>
      %dma_start3A = arith.constant 0 : i32
      %dma_start3A_145 = tpu.memref_slice %arg7[%arg0, %add3A_68, %dma_start3A] : memref<2x10240x128xf32, #tpu.memory_space<hbm>> -> memref<1x80x128xf32, #tpu.memory_space<hbm>>
      %dma_start3A_146 = tpu.memref_squeeze %dma_start3A_145 : memref<1x80x128xf32, #tpu.memory_space<hbm>> -> memref<80x128xf32, #tpu.memory_space<hbm>>
      %dma_start3A_147 = arith.constant 0 : i32
      %dma_start3A_148 = tpu.memref_slice %arg7[%arg0, %add3A_68, %dma_start3A_147] : memref<2x10240x128xf32, #tpu.memory_space<hbm>> -> memref<1x80x128xf32, #tpu.memory_space<hbm>>
      %dma_start3A_149 = tpu.memref_squeeze %dma_start3A_148 : memref<1x80x128xf32, #tpu.memory_space<hbm>> -> memref<80x128xf32, #tpu.memory_space<hbm>>
      tpu.enqueue_dma source(%arg11 : memref<80x128xf32, #tpu.memory_space<vmem>>) target(%dma_start3A_149 : memref<80x128xf32, #tpu.memory_space<hbm>>) target_semaphore(%run_scoped3A : memref<!tpu.dma_semaphore, #tpu.memory_space<semaphore_mem>>)
      %dma_wait3A = arith.constant 0 : i32
      %dma_wait3A_150 = tpu.memref_slice %arg7[%arg0, %add3A_68, %dma_wait3A] : memref<2x10240x128xf32, #tpu.memory_space<hbm>> -> memref<1x80x128xf32, #tpu.memory_space<hbm>>
      %dma_wait3A_151 = tpu.memref_squeeze %dma_wait3A_150 : memref<1x80x128xf32, #tpu.memory_space<hbm>> -> memref<80x128xf32, #tpu.memory_space<hbm>>
      %dma_wait3A_152 = arith.constant 0 : i32
      %dma_wait3A_153 = tpu.memref_slice %arg7[%arg0, %add3A_68, %dma_wait3A_152] : memref<2x10240x128xf32, #tpu.memory_space<hbm>> -> memref<1x80x128xf32, #tpu.memory_space<hbm>>
      %dma_wait3A_154 = tpu.memref_squeeze %dma_wait3A_153 : memref<1x80x128xf32, #tpu.memory_space<hbm>> -> memref<80x128xf32, #tpu.memory_space<hbm>>
      tpu.wait_dma2 semaphore(%run_scoped3A : memref<!tpu.dma_semaphore, #tpu.memory_space<semaphore_mem>>) src(%arg11 : memref<80x128xf32, #tpu.memory_space<vmem>>) dst(%dma_wait3A_154 : memref<80x128xf32, #tpu.memory_space<hbm>>)
      tpu.yield
    }) : () -> ()
    %mul3A_69 = arith.constant 640 : i32
    %mul3A_70 = arith.muli %arg1, %mul3A_69 : i32
    %add3A_71 = arith.constant 560 : i32
    %add3A_72 = arith.addi %mul3A_70, %add3A_71 : i32
    "tpu.region"() ({
      %run_scoped3A = tpu.sem_alloc : memref<!tpu.dma_semaphore, #tpu.memory_space<semaphore_mem>>
      %dma_start3A = arith.constant 0 : i32
      %dma_start3A_145 = tpu.memref_slice %arg13[%add3A_72, %dma_start3A] : memref<10240x128xf32, #tpu.memory_space<vmem_shared>> -> memref<80x128xf32, #tpu.memory_space<vmem_shared>>
      %dma_start3A_146 = arith.constant 0 : i32
      %dma_start3A_147 = tpu.memref_slice %arg13[%add3A_72, %dma_start3A_146] : memref<10240x128xf32, #tpu.memory_space<vmem_shared>> -> memref<80x128xf32, #tpu.memory_space<vmem_shared>>
      tpu.enqueue_dma source(%dma_start3A_147 : memref<80x128xf32, #tpu.memory_space<vmem_shared>>) target(%arg11 : memref<80x128xf32, #tpu.memory_space<vmem>>) target_semaphore(%run_scoped3A : memref<!tpu.dma_semaphore, #tpu.memory_space<semaphore_mem>>)
      %dma_wait3A = arith.constant 0 : i32
      %dma_wait3A_148 = tpu.memref_slice %arg13[%add3A_72, %dma_wait3A] : memref<10240x128xf32, #tpu.memory_space<vmem_shared>> -> memref<80x128xf32, #tpu.memory_space<vmem_shared>>
      %dma_wait3A_149 = arith.constant 0 : i32
      %dma_wait3A_150 = tpu.memref_slice %arg13[%add3A_72, %dma_wait3A_149] : memref<10240x128xf32, #tpu.memory_space<vmem_shared>> -> memref<80x128xf32, #tpu.memory_space<vmem_shared>>
      tpu.wait_dma2 semaphore(%run_scoped3A : memref<!tpu.dma_semaphore, #tpu.memory_space<semaphore_mem>>) src(%dma_wait3A_150 : memref<80x128xf32, #tpu.memory_space<vmem_shared>>) dst(%arg11 : memref<80x128xf32, #tpu.memory_space<vmem>>)
      tpu.yield
    }) : () -> ()
    "tpu.region"() ({
      %run_scoped3A = tpu.sem_alloc : memref<!tpu.dma_semaphore, #tpu.memory_space<semaphore_mem>>
      %dma_start3A = arith.constant 0 : i32
      %dma_start3A_145 = tpu.memref_slice %arg7[%arg0, %add3A_72, %dma_start3A] : memref<2x10240x128xf32, #tpu.memory_space<hbm>> -> memref<1x80x128xf32, #tpu.memory_space<hbm>>
      %dma_start3A_146 = tpu.memref_squeeze %dma_start3A_145 : memref<1x80x128xf32, #tpu.memory_space<hbm>> -> memref<80x128xf32, #tpu.memory_space<hbm>>
      %dma_start3A_147 = arith.constant 0 : i32
      %dma_start3A_148 = tpu.memref_slice %arg7[%arg0, %add3A_72, %dma_start3A_147] : memref<2x10240x128xf32, #tpu.memory_space<hbm>> -> memref<1x80x128xf32, #tpu.memory_space<hbm>>
      %dma_start3A_149 = tpu.memref_squeeze %dma_start3A_148 : memref<1x80x128xf32, #tpu.memory_space<hbm>> -> memref<80x128xf32, #tpu.memory_space<hbm>>
      tpu.enqueue_dma source(%arg11 : memref<80x128xf32, #tpu.memory_space<vmem>>) target(%dma_start3A_149 : memref<80x128xf32, #tpu.memory_space<hbm>>) target_semaphore(%run_scoped3A : memref<!tpu.dma_semaphore, #tpu.memory_space<semaphore_mem>>)
      %dma_wait3A = arith.constant 0 : i32
      %dma_wait3A_150 = tpu.memref_slice %arg7[%arg0, %add3A_72, %dma_wait3A] : memref<2x10240x128xf32, #tpu.memory_space<hbm>> -> memref<1x80x128xf32, #tpu.memory_space<hbm>>
      %dma_wait3A_151 = tpu.memref_squeeze %dma_wait3A_150 : memref<1x80x128xf32, #tpu.memory_space<hbm>> -> memref<80x128xf32, #tpu.memory_space<hbm>>
      %dma_wait3A_152 = arith.constant 0 : i32
      %dma_wait3A_153 = tpu.memref_slice %arg7[%arg0, %add3A_72, %dma_wait3A_152] : memref<2x10240x128xf32, #tpu.memory_space<hbm>> -> memref<1x80x128xf32, #tpu.memory_space<hbm>>
      %dma_wait3A_154 = tpu.memref_squeeze %dma_wait3A_153 : memref<1x80x128xf32, #tpu.memory_space<hbm>> -> memref<80x128xf32, #tpu.memory_space<hbm>>
      tpu.wait_dma2 semaphore(%run_scoped3A : memref<!tpu.dma_semaphore, #tpu.memory_space<semaphore_mem>>) src(%arg11 : memref<80x128xf32, #tpu.memory_space<vmem>>) dst(%dma_wait3A_154 : memref<80x128xf32, #tpu.memory_space<hbm>>)
      tpu.yield
    }) : () -> ()
    "tpu.region"() ({
      %run_scoped3A = tpu.sem_alloc : memref<!tpu.dma_semaphore, #tpu.memory_space<semaphore_mem>>
      tpu.enqueue_dma source(%arg5 : memref<80x128xf32, #tpu.memory_space<hbm>>) target(%arg11 : memref<80x128xf32, #tpu.memory_space<vmem>>) target_semaphore(%run_scoped3A : memref<!tpu.dma_semaphore, #tpu.memory_space<semaphore_mem>>)
      tpu.wait_dma2 semaphore(%run_scoped3A : memref<!tpu.dma_semaphore, #tpu.memory_space<semaphore_mem>>) src(%arg5 : memref<80x128xf32, #tpu.memory_space<hbm>>) dst(%arg11 : memref<80x128xf32, #tpu.memory_space<vmem>>)
      tpu.yield
    }) : () -> ()
    %mul3A_73 = arith.constant 640 : i32
    %mul3A_74 = arith.muli %arg1, %mul3A_73 : i32
    %add3A_75 = arith.constant 0 : i32
    %add3A_76 = arith.addi %mul3A_74, %add3A_75 : i32
    "tpu.region"() ({
      %run_scoped3A = tpu.sem_alloc : memref<!tpu.dma_semaphore, #tpu.memory_space<semaphore_mem>>
      %dma_start3A = arith.constant 0 : i32
      %dma_start3A_145 = tpu.memref_slice %arg13[%add3A_76, %dma_start3A] : memref<10240x128xf32, #tpu.memory_space<vmem_shared>> -> memref<80x128xf32, #tpu.memory_space<vmem_shared>>
      %dma_start3A_146 = arith.constant 0 : i32
      %dma_start3A_147 = tpu.memref_slice %arg13[%add3A_76, %dma_start3A_146] : memref<10240x128xf32, #tpu.memory_space<vmem_shared>> -> memref<80x128xf32, #tpu.memory_space<vmem_shared>>
      tpu.enqueue_dma source(%arg11 : memref<80x128xf32, #tpu.memory_space<vmem>>) target(%dma_start3A_147 : memref<80x128xf32, #tpu.memory_space<vmem_shared>>) target_semaphore(%run_scoped3A : memref<!tpu.dma_semaphore, #tpu.memory_space<semaphore_mem>>)
      %dma_wait3A = arith.constant 0 : i32
      %dma_wait3A_148 = tpu.memref_slice %arg13[%add3A_76, %dma_wait3A] : memref<10240x128xf32, #tpu.memory_space<vmem_shared>> -> memref<80x128xf32, #tpu.memory_space<vmem_shared>>
      %dma_wait3A_149 = arith.constant 0 : i32
      %dma_wait3A_150 = tpu.memref_slice %arg13[%add3A_76, %dma_wait3A_149] : memref<10240x128xf32, #tpu.memory_space<vmem_shared>> -> memref<80x128xf32, #tpu.memory_space<vmem_shared>>
      tpu.wait_dma2 semaphore(%run_scoped3A : memref<!tpu.dma_semaphore, #tpu.memory_space<semaphore_mem>>) src(%arg11 : memref<80x128xf32, #tpu.memory_space<vmem>>) dst(%dma_wait3A_150 : memref<80x128xf32, #tpu.memory_space<vmem_shared>>)
      tpu.yield
    }) : () -> ()
    %mul3A_77 = arith.constant 640 : i32
    %mul3A_78 = arith.muli %arg1, %mul3A_77 : i32
    %add3A_79 = arith.constant 80 : i32
    %add3A_80 = arith.addi %mul3A_78, %add3A_79 : i32
    "tpu.region"() ({
      %run_scoped3A = tpu.sem_alloc : memref<!tpu.dma_semaphore, #tpu.memory_space<semaphore_mem>>
      %dma_start3A = arith.constant 0 : i32
      %dma_start3A_145 = tpu.memref_slice %arg13[%add3A_80, %dma_start3A] : memref<10240x128xf32, #tpu.memory_space<vmem_shared>> -> memref<80x128xf32, #tpu.memory_space<vmem_shared>>
      %dma_start3A_146 = arith.constant 0 : i32
      %dma_start3A_147 = tpu.memref_slice %arg13[%add3A_80, %dma_start3A_146] : memref<10240x128xf32, #tpu.memory_space<vmem_shared>> -> memref<80x128xf32, #tpu.memory_space<vmem_shared>>
      tpu.enqueue_dma source(%arg11 : memref<80x128xf32, #tpu.memory_space<vmem>>) target(%dma_start3A_147 : memref<80x128xf32, #tpu.memory_space<vmem_shared>>) target_semaphore(%run_scoped3A : memref<!tpu.dma_semaphore, #tpu.memory_space<semaphore_mem>>)
      %dma_wait3A = arith.constant 0 : i32
      %dma_wait3A_148 = tpu.memref_slice %arg13[%add3A_80, %dma_wait3A] : memref<10240x128xf32, #tpu.memory_space<vmem_shared>> -> memref<80x128xf32, #tpu.memory_space<vmem_shared>>
      %dma_wait3A_149 = arith.constant 0 : i32
      %dma_wait3A_150 = tpu.memref_slice %arg13[%add3A_80, %dma_wait3A_149] : memref<10240x128xf32, #tpu.memory_space<vmem_shared>> -> memref<80x128xf32, #tpu.memory_space<vmem_shared>>
      tpu.wait_dma2 semaphore(%run_scoped3A : memref<!tpu.dma_semaphore, #tpu.memory_space<semaphore_mem>>) src(%arg11 : memref<80x128xf32, #tpu.memory_space<vmem>>) dst(%dma_wait3A_150 : memref<80x128xf32, #tpu.memory_space<vmem_shared>>)
      tpu.yield
    }) : () -> ()
    %mul3A_81 = arith.constant 640 : i32
    %mul3A_82 = arith.muli %arg1, %mul3A_81 : i32
    %add3A_83 = arith.constant 160 : i32
    %add3A_84 = arith.addi %mul3A_82, %add3A_83 : i32
    "tpu.region"() ({
      %run_scoped3A = tpu.sem_alloc : memref<!tpu.dma_semaphore, #tpu.memory_space<semaphore_mem>>
      %dma_start3A = arith.constant 0 : i32
      %dma_start3A_145 = tpu.memref_slice %arg13[%add3A_84, %dma_start3A] : memref<10240x128xf32, #tpu.memory_space<vmem_shared>> -> memref<80x128xf32, #tpu.memory_space<vmem_shared>>
      %dma_start3A_146 = arith.constant 0 : i32
      %dma_start3A_147 = tpu.memref_slice %arg13[%add3A_84, %dma_start3A_146] : memref<10240x128xf32, #tpu.memory_space<vmem_shared>> -> memref<80x128xf32, #tpu.memory_space<vmem_shared>>
      tpu.enqueue_dma source(%arg11 : memref<80x128xf32, #tpu.memory_space<vmem>>) target(%dma_start3A_147 : memref<80x128xf32, #tpu.memory_space<vmem_shared>>) target_semaphore(%run_scoped3A : memref<!tpu.dma_semaphore, #tpu.memory_space<semaphore_mem>>)
      %dma_wait3A = arith.constant 0 : i32
      %dma_wait3A_148 = tpu.memref_slice %arg13[%add3A_84, %dma_wait3A] : memref<10240x128xf32, #tpu.memory_space<vmem_shared>> -> memref<80x128xf32, #tpu.memory_space<vmem_shared>>
      %dma_wait3A_149 = arith.constant 0 : i32
      %dma_wait3A_150 = tpu.memref_slice %arg13[%add3A_84, %dma_wait3A_149] : memref<10240x128xf32, #tpu.memory_space<vmem_shared>> -> memref<80x128xf32, #tpu.memory_space<vmem_shared>>
      tpu.wait_dma2 semaphore(%run_scoped3A : memref<!tpu.dma_semaphore, #tpu.memory_space<semaphore_mem>>) src(%arg11 : memref<80x128xf32, #tpu.memory_space<vmem>>) dst(%dma_wait3A_150 : memref<80x128xf32, #tpu.memory_space<vmem_shared>>)
      tpu.yield
    }) : () -> ()
    %mul3A_85 = arith.constant 640 : i32
    %mul3A_86 = arith.muli %arg1, %mul3A_85 : i32
    %add3A_87 = arith.constant 240 : i32
    %add3A_88 = arith.addi %mul3A_86, %add3A_87 : i32
    "tpu.region"() ({
      %run_scoped3A = tpu.sem_alloc : memref<!tpu.dma_semaphore, #tpu.memory_space<semaphore_mem>>
      %dma_start3A = arith.constant 0 : i32
      %dma_start3A_145 = tpu.memref_slice %arg13[%add3A_88, %dma_start3A] : memref<10240x128xf32, #tpu.memory_space<vmem_shared>> -> memref<80x128xf32, #tpu.memory_space<vmem_shared>>
      %dma_start3A_146 = arith.constant 0 : i32
      %dma_start3A_147 = tpu.memref_slice %arg13[%add3A_88, %dma_start3A_146] : memref<10240x128xf32, #tpu.memory_space<vmem_shared>> -> memref<80x128xf32, #tpu.memory_space<vmem_shared>>
      tpu.enqueue_dma source(%arg11 : memref<80x128xf32, #tpu.memory_space<vmem>>) target(%dma_start3A_147 : memref<80x128xf32, #tpu.memory_space<vmem_shared>>) target_semaphore(%run_scoped3A : memref<!tpu.dma_semaphore, #tpu.memory_space<semaphore_mem>>)
      %dma_wait3A = arith.constant 0 : i32
      %dma_wait3A_148 = tpu.memref_slice %arg13[%add3A_88, %dma_wait3A] : memref<10240x128xf32, #tpu.memory_space<vmem_shared>> -> memref<80x128xf32, #tpu.memory_space<vmem_shared>>
      %dma_wait3A_149 = arith.constant 0 : i32
      %dma_wait3A_150 = tpu.memref_slice %arg13[%add3A_88, %dma_wait3A_149] : memref<10240x128xf32, #tpu.memory_space<vmem_shared>> -> memref<80x128xf32, #tpu.memory_space<vmem_shared>>
      tpu.wait_dma2 semaphore(%run_scoped3A : memref<!tpu.dma_semaphore, #tpu.memory_space<semaphore_mem>>) src(%arg11 : memref<80x128xf32, #tpu.memory_space<vmem>>) dst(%dma_wait3A_150 : memref<80x128xf32, #tpu.memory_space<vmem_shared>>)
      tpu.yield
    }) : () -> ()
    %mul3A_89 = arith.constant 640 : i32
    %mul3A_90 = arith.muli %arg1, %mul3A_89 : i32
    %add3A_91 = arith.constant 320 : i32
    %add3A_92 = arith.addi %mul3A_90, %add3A_91 : i32
    "tpu.region"() ({
      %run_scoped3A = tpu.sem_alloc : memref<!tpu.dma_semaphore, #tpu.memory_space<semaphore_mem>>
      %dma_start3A = arith.constant 0 : i32
      %dma_start3A_145 = tpu.memref_slice %arg13[%add3A_92, %dma_start3A] : memref<10240x128xf32, #tpu.memory_space<vmem_shared>> -> memref<80x128xf32, #tpu.memory_space<vmem_shared>>
      %dma_start3A_146 = arith.constant 0 : i32
      %dma_start3A_147 = tpu.memref_slice %arg13[%add3A_92, %dma_start3A_146] : memref<10240x128xf32, #tpu.memory_space<vmem_shared>> -> memref<80x128xf32, #tpu.memory_space<vmem_shared>>
      tpu.enqueue_dma source(%arg11 : memref<80x128xf32, #tpu.memory_space<vmem>>) target(%dma_start3A_147 : memref<80x128xf32, #tpu.memory_space<vmem_shared>>) target_semaphore(%run_scoped3A : memref<!tpu.dma_semaphore, #tpu.memory_space<semaphore_mem>>)
      %dma_wait3A = arith.constant 0 : i32
      %dma_wait3A_148 = tpu.memref_slice %arg13[%add3A_92, %dma_wait3A] : memref<10240x128xf32, #tpu.memory_space<vmem_shared>> -> memref<80x128xf32, #tpu.memory_space<vmem_shared>>
      %dma_wait3A_149 = arith.constant 0 : i32
      %dma_wait3A_150 = tpu.memref_slice %arg13[%add3A_92, %dma_wait3A_149] : memref<10240x128xf32, #tpu.memory_space<vmem_shared>> -> memref<80x128xf32, #tpu.memory_space<vmem_shared>>
      tpu.wait_dma2 semaphore(%run_scoped3A : memref<!tpu.dma_semaphore, #tpu.memory_space<semaphore_mem>>) src(%arg11 : memref<80x128xf32, #tpu.memory_space<vmem>>) dst(%dma_wait3A_150 : memref<80x128xf32, #tpu.memory_space<vmem_shared>>)
      tpu.yield
    }) : () -> ()
    %mul3A_93 = arith.constant 640 : i32
    %mul3A_94 = arith.muli %arg1, %mul3A_93 : i32
    %add3A_95 = arith.constant 400 : i32
    %add3A_96 = arith.addi %mul3A_94, %add3A_95 : i32
    "tpu.region"() ({
      %run_scoped3A = tpu.sem_alloc : memref<!tpu.dma_semaphore, #tpu.memory_space<semaphore_mem>>
      %dma_start3A = arith.constant 0 : i32
      %dma_start3A_145 = tpu.memref_slice %arg13[%add3A_96, %dma_start3A] : memref<10240x128xf32, #tpu.memory_space<vmem_shared>> -> memref<80x128xf32, #tpu.memory_space<vmem_shared>>
      %dma_start3A_146 = arith.constant 0 : i32
      %dma_start3A_147 = tpu.memref_slice %arg13[%add3A_96, %dma_start3A_146] : memref<10240x128xf32, #tpu.memory_space<vmem_shared>> -> memref<80x128xf32, #tpu.memory_space<vmem_shared>>
      tpu.enqueue_dma source(%arg11 : memref<80x128xf32, #tpu.memory_space<vmem>>) target(%dma_start3A_147 : memref<80x128xf32, #tpu.memory_space<vmem_shared>>) target_semaphore(%run_scoped3A : memref<!tpu.dma_semaphore, #tpu.memory_space<semaphore_mem>>)
      %dma_wait3A = arith.constant 0 : i32
      %dma_wait3A_148 = tpu.memref_slice %arg13[%add3A_96, %dma_wait3A] : memref<10240x128xf32, #tpu.memory_space<vmem_shared>> -> memref<80x128xf32, #tpu.memory_space<vmem_shared>>
      %dma_wait3A_149 = arith.constant 0 : i32
      %dma_wait3A_150 = tpu.memref_slice %arg13[%add3A_96, %dma_wait3A_149] : memref<10240x128xf32, #tpu.memory_space<vmem_shared>> -> memref<80x128xf32, #tpu.memory_space<vmem_shared>>
      tpu.wait_dma2 semaphore(%run_scoped3A : memref<!tpu.dma_semaphore, #tpu.memory_space<semaphore_mem>>) src(%arg11 : memref<80x128xf32, #tpu.memory_space<vmem>>) dst(%dma_wait3A_150 : memref<80x128xf32, #tpu.memory_space<vmem_shared>>)
      tpu.yield
    }) : () -> ()
    %mul3A_97 = arith.constant 640 : i32
    %mul3A_98 = arith.muli %arg1, %mul3A_97 : i32
    %add3A_99 = arith.constant 480 : i32
    %add3A_100 = arith.addi %mul3A_98, %add3A_99 : i32
    "tpu.region"() ({
      %run_scoped3A = tpu.sem_alloc : memref<!tpu.dma_semaphore, #tpu.memory_space<semaphore_mem>>
      %dma_start3A = arith.constant 0 : i32
      %dma_start3A_145 = tpu.memref_slice %arg13[%add3A_100, %dma_start3A] : memref<10240x128xf32, #tpu.memory_space<vmem_shared>> -> memref<80x128xf32, #tpu.memory_space<vmem_shared>>
      %dma_start3A_146 = arith.constant 0 : i32
      %dma_start3A_147 = tpu.memref_slice %arg13[%add3A_100, %dma_start3A_146] : memref<10240x128xf32, #tpu.memory_space<vmem_shared>> -> memref<80x128xf32, #tpu.memory_space<vmem_shared>>
      tpu.enqueue_dma source(%arg11 : memref<80x128xf32, #tpu.memory_space<vmem>>) target(%dma_start3A_147 : memref<80x128xf32, #tpu.memory_space<vmem_shared>>) target_semaphore(%run_scoped3A : memref<!tpu.dma_semaphore, #tpu.memory_space<semaphore_mem>>)
      %dma_wait3A = arith.constant 0 : i32
      %dma_wait3A_148 = tpu.memref_slice %arg13[%add3A_100, %dma_wait3A] : memref<10240x128xf32, #tpu.memory_space<vmem_shared>> -> memref<80x128xf32, #tpu.memory_space<vmem_shared>>
      %dma_wait3A_149 = arith.constant 0 : i32
      %dma_wait3A_150 = tpu.memref_slice %arg13[%add3A_100, %dma_wait3A_149] : memref<10240x128xf32, #tpu.memory_space<vmem_shared>> -> memref<80x128xf32, #tpu.memory_space<vmem_shared>>
      tpu.wait_dma2 semaphore(%run_scoped3A : memref<!tpu.dma_semaphore, #tpu.memory_space<semaphore_mem>>) src(%arg11 : memref<80x128xf32, #tpu.memory_space<vmem>>) dst(%dma_wait3A_150 : memref<80x128xf32, #tpu.memory_space<vmem_shared>>)
      tpu.yield
    }) : () -> ()
    %mul3A_101 = arith.constant 640 : i32
    %mul3A_102 = arith.muli %arg1, %mul3A_101 : i32
    %add3A_103 = arith.constant 560 : i32
    %add3A_104 = arith.addi %mul3A_102, %add3A_103 : i32
    "tpu.region"() ({
      %run_scoped3A = tpu.sem_alloc : memref<!tpu.dma_semaphore, #tpu.memory_space<semaphore_mem>>
      %dma_start3A = arith.constant 0 : i32
      %dma_start3A_145 = tpu.memref_slice %arg13[%add3A_104, %dma_start3A] : memref<10240x128xf32, #tpu.memory_space<vmem_shared>> -> memref<80x128xf32, #tpu.memory_space<vmem_shared>>
      %dma_start3A_146 = arith.constant 0 : i32
      %dma_start3A_147 = tpu.memref_slice %arg13[%add3A_104, %dma_start3A_146] : memref<10240x128xf32, #tpu.memory_space<vmem_shared>> -> memref<80x128xf32, #tpu.memory_space<vmem_shared>>
      tpu.enqueue_dma source(%arg11 : memref<80x128xf32, #tpu.memory_space<vmem>>) target(%dma_start3A_147 : memref<80x128xf32, #tpu.memory_space<vmem_shared>>) target_semaphore(%run_scoped3A : memref<!tpu.dma_semaphore, #tpu.memory_space<semaphore_mem>>)
      %dma_wait3A = arith.constant 0 : i32
      %dma_wait3A_148 = tpu.memref_slice %arg13[%add3A_104, %dma_wait3A] : memref<10240x128xf32, #tpu.memory_space<vmem_shared>> -> memref<80x128xf32, #tpu.memory_space<vmem_shared>>
      %dma_wait3A_149 = arith.constant 0 : i32
      %dma_wait3A_150 = tpu.memref_slice %arg13[%add3A_104, %dma_wait3A_149] : memref<10240x128xf32, #tpu.memory_space<vmem_shared>> -> memref<80x128xf32, #tpu.memory_space<vmem_shared>>
      tpu.wait_dma2 semaphore(%run_scoped3A : memref<!tpu.dma_semaphore, #tpu.memory_space<semaphore_mem>>) src(%arg11 : memref<80x128xf32, #tpu.memory_space<vmem>>) dst(%dma_wait3A_150 : memref<80x128xf32, #tpu.memory_space<vmem_shared>>)
      tpu.yield
    }) : () -> ()
    %barrier3A_105 = arith.constant 0 : index
    tpu.barrier barrier_id(%barrier3A_105)
    %scan3A_106 = arith.constant 0 : i32
    %scan3A_107 = arith.constant 0 : i32
    %scan3A_108 = arith.constant 125 : i32
    %scan3A_109 = arith.addi %scan3A_107, %scan3A_108 : i32
    %scan3A_110 = arith.constant 1 : i32
    scf.for %scan3A_145 = %scan3A_107 to %scan3A_109 step %scan3A_110  : i32 {
      %mul3A_146 = arith.constant 80 : i32
      %mul3A_147 = arith.muli %scan3A_145, %mul3A_146 : i32
      %add3A_148 = arith.addi %mul3A_2, %mul3A_147 : i32
      "tpu.region"() ({
        %run_scoped3A = tpu.sem_alloc : memref<!tpu.dma_semaphore, #tpu.memory_space<semaphore_mem>>
        %dma_start3A = tpu.memref_slice %arg3[%add3A_148] : memref<320000xi32, #tpu.memory_space<hbm>> -> memref<80xi32, #tpu.memory_space<hbm>>
        %dma_start3A_149 = tpu.memref_slice %arg3[%add3A_148] : memref<320000xi32, #tpu.memory_space<hbm>> -> memref<80xi32, #tpu.memory_space<hbm>>
        tpu.enqueue_dma source(%dma_start3A_149 : memref<80xi32, #tpu.memory_space<hbm>>) target(%arg10 : memref<80xi32, #tpu.memory_space<vmem>>) target_semaphore(%run_scoped3A : memref<!tpu.dma_semaphore, #tpu.memory_space<semaphore_mem>>)
        %dma_wait3A = tpu.memref_slice %arg3[%add3A_148] : memref<320000xi32, #tpu.memory_space<hbm>> -> memref<80xi32, #tpu.memory_space<hbm>>
        %dma_wait3A_150 = tpu.memref_slice %arg3[%add3A_148] : memref<320000xi32, #tpu.memory_space<hbm>> -> memref<80xi32, #tpu.memory_space<hbm>>
        tpu.wait_dma2 semaphore(%run_scoped3A : memref<!tpu.dma_semaphore, #tpu.memory_space<semaphore_mem>>) src(%dma_wait3A_150 : memref<80xi32, #tpu.memory_space<hbm>>) dst(%arg10 : memref<80xi32, #tpu.memory_space<vmem>>)
        tpu.yield
      }) : () -> ()
      "tpu.region"() ({
        %run_scoped3A = tpu.sem_alloc : memref<!tpu.dma_semaphore, #tpu.memory_space<semaphore_mem>>
        %dma_start3A = arith.constant 0 : i32
        %dma_start3A_149 = arith.constant 0 : i32
        %dma_start3A_150 = tpu.memref_slice %arg13[%dma_start3A, %dma_start3A_149] : memref<10240x128xf32, #tpu.memory_space<vmem_shared>> -> memref<10240x128xf32, #tpu.memory_space<vmem_shared>>
        tpu.enqueue_indirect_dma source(%arg12 : memref<80x128xf32, #tpu.memory_space<vmem>>) target(%dma_start3A_150 : memref<10240x128xf32, #tpu.memory_space<vmem_shared>>) offsets(%arg10 : memref<80xi32, #tpu.memory_space<vmem>>) semaphore(%run_scoped3A : memref<!tpu.dma_semaphore, #tpu.memory_space<semaphore_mem>>) {add = true}
        %dma_wait3A = arith.constant 0 : i32
        %dma_wait3A_151 = arith.constant 0 : i32
        %dma_wait3A_152 = tpu.memref_slice %arg13[%dma_wait3A, %dma_wait3A_151] : memref<10240x128xf32, #tpu.memory_space<vmem_shared>> -> memref<10240x128xf32, #tpu.memory_space<vmem_shared>>
        tpu.wait_indirect_dma semaphore(%run_scoped3A : memref<!tpu.dma_semaphore, #tpu.memory_space<semaphore_mem>>) src(%arg12 : memref<80x128xf32, #tpu.memory_space<vmem>>) dst(%dma_wait3A_152 : memref<10240x128xf32, #tpu.memory_space<vmem_shared>>)
        tpu.yield
      }) : () -> ()
    }
    %scan3A_111 = arith.constant 125 : i32
    %barrier3A_112 = arith.constant 0 : index
    tpu.barrier barrier_id(%barrier3A_112)
    %mul3A_113 = arith.constant 640 : i32
    %mul3A_114 = arith.muli %arg1, %mul3A_113 : i32
    %add3A_115 = arith.constant 0 : i32
    %add3A_116 = arith.addi %mul3A_114, %add3A_115 : i32
    "tpu.region"() ({
      %run_scoped3A = tpu.sem_alloc : memref<!tpu.dma_semaphore, #tpu.memory_space<semaphore_mem>>
      %dma_start3A = arith.constant 0 : i32
      %dma_start3A_145 = tpu.memref_slice %arg13[%add3A_116, %dma_start3A] : memref<10240x128xf32, #tpu.memory_space<vmem_shared>> -> memref<80x128xf32, #tpu.memory_space<vmem_shared>>
      %dma_start3A_146 = arith.constant 0 : i32
      %dma_start3A_147 = tpu.memref_slice %arg13[%add3A_116, %dma_start3A_146] : memref<10240x128xf32, #tpu.memory_space<vmem_shared>> -> memref<80x128xf32, #tpu.memory_space<vmem_shared>>
      tpu.enqueue_dma source(%dma_start3A_147 : memref<80x128xf32, #tpu.memory_space<vmem_shared>>) target(%arg11 : memref<80x128xf32, #tpu.memory_space<vmem>>) target_semaphore(%run_scoped3A : memref<!tpu.dma_semaphore, #tpu.memory_space<semaphore_mem>>)
      %dma_wait3A = arith.constant 0 : i32
      %dma_wait3A_148 = tpu.memref_slice %arg13[%add3A_116, %dma_wait3A] : memref<10240x128xf32, #tpu.memory_space<vmem_shared>> -> memref<80x128xf32, #tpu.memory_space<vmem_shared>>
      %dma_wait3A_149 = arith.constant 0 : i32
      %dma_wait3A_150 = tpu.memref_slice %arg13[%add3A_116, %dma_wait3A_149] : memref<10240x128xf32, #tpu.memory_space<vmem_shared>> -> memref<80x128xf32, #tpu.memory_space<vmem_shared>>
      tpu.wait_dma2 semaphore(%run_scoped3A : memref<!tpu.dma_semaphore, #tpu.memory_space<semaphore_mem>>) src(%dma_wait3A_150 : memref<80x128xf32, #tpu.memory_space<vmem_shared>>) dst(%arg11 : memref<80x128xf32, #tpu.memory_space<vmem>>)
      tpu.yield
    }) : () -> ()
    "tpu.region"() ({
      %run_scoped3A = tpu.sem_alloc : memref<!tpu.dma_semaphore, #tpu.memory_space<semaphore_mem>>
      %dma_start3A = arith.constant 0 : i32
      %dma_start3A_145 = tpu.memref_slice %arg8[%arg0, %add3A_116, %dma_start3A] : memref<2x10240x128xf32, #tpu.memory_space<hbm>> -> memref<1x80x128xf32, #tpu.memory_space<hbm>>
      %dma_start3A_146 = tpu.memref_squeeze %dma_start3A_145 : memref<1x80x128xf32, #tpu.memory_space<hbm>> -> memref<80x128xf32, #tpu.memory_space<hbm>>
      %dma_start3A_147 = arith.constant 0 : i32
      %dma_start3A_148 = tpu.memref_slice %arg8[%arg0, %add3A_116, %dma_start3A_147] : memref<2x10240x128xf32, #tpu.memory_space<hbm>> -> memref<1x80x128xf32, #tpu.memory_space<hbm>>
      %dma_start3A_149 = tpu.memref_squeeze %dma_start3A_148 : memref<1x80x128xf32, #tpu.memory_space<hbm>> -> memref<80x128xf32, #tpu.memory_space<hbm>>
      tpu.enqueue_dma source(%arg11 : memref<80x128xf32, #tpu.memory_space<vmem>>) target(%dma_start3A_149 : memref<80x128xf32, #tpu.memory_space<hbm>>) target_semaphore(%run_scoped3A : memref<!tpu.dma_semaphore, #tpu.memory_space<semaphore_mem>>)
      %dma_wait3A = arith.constant 0 : i32
      %dma_wait3A_150 = tpu.memref_slice %arg8[%arg0, %add3A_116, %dma_wait3A] : memref<2x10240x128xf32, #tpu.memory_space<hbm>> -> memref<1x80x128xf32, #tpu.memory_space<hbm>>
      %dma_wait3A_151 = tpu.memref_squeeze %dma_wait3A_150 : memref<1x80x128xf32, #tpu.memory_space<hbm>> -> memref<80x128xf32, #tpu.memory_space<hbm>>
      %dma_wait3A_152 = arith.constant 0 : i32
      %dma_wait3A_153 = tpu.memref_slice %arg8[%arg0, %add3A_116, %dma_wait3A_152] : memref<2x10240x128xf32, #tpu.memory_space<hbm>> -> memref<1x80x128xf32, #tpu.memory_space<hbm>>
      %dma_wait3A_154 = tpu.memref_squeeze %dma_wait3A_153 : memref<1x80x128xf32, #tpu.memory_space<hbm>> -> memref<80x128xf32, #tpu.memory_space<hbm>>
      tpu.wait_dma2 semaphore(%run_scoped3A : memref<!tpu.dma_semaphore, #tpu.memory_space<semaphore_mem>>) src(%arg11 : memref<80x128xf32, #tpu.memory_space<vmem>>) dst(%dma_wait3A_154 : memref<80x128xf32, #tpu.memory_space<hbm>>)
      tpu.yield
    }) : () -> ()
    %mul3A_117 = arith.constant 640 : i32
    %mul3A_118 = arith.muli %arg1, %mul3A_117 : i32
    %add3A_119 = arith.constant 80 : i32
    %add3A_120 = arith.addi %mul3A_118, %add3A_119 : i32
    "tpu.region"() ({
      %run_scoped3A = tpu.sem_alloc : memref<!tpu.dma_semaphore, #tpu.memory_space<semaphore_mem>>
      %dma_start3A = arith.constant 0 : i32
      %dma_start3A_145 = tpu.memref_slice %arg13[%add3A_120, %dma_start3A] : memref<10240x128xf32, #tpu.memory_space<vmem_shared>> -> memref<80x128xf32, #tpu.memory_space<vmem_shared>>
      %dma_start3A_146 = arith.constant 0 : i32
      %dma_start3A_147 = tpu.memref_slice %arg13[%add3A_120, %dma_start3A_146] : memref<10240x128xf32, #tpu.memory_space<vmem_shared>> -> memref<80x128xf32, #tpu.memory_space<vmem_shared>>
      tpu.enqueue_dma source(%dma_start3A_147 : memref<80x128xf32, #tpu.memory_space<vmem_shared>>) target(%arg11 : memref<80x128xf32, #tpu.memory_space<vmem>>) target_semaphore(%run_scoped3A : memref<!tpu.dma_semaphore, #tpu.memory_space<semaphore_mem>>)
      %dma_wait3A = arith.constant 0 : i32
      %dma_wait3A_148 = tpu.memref_slice %arg13[%add3A_120, %dma_wait3A] : memref<10240x128xf32, #tpu.memory_space<vmem_shared>> -> memref<80x128xf32, #tpu.memory_space<vmem_shared>>
      %dma_wait3A_149 = arith.constant 0 : i32
      %dma_wait3A_150 = tpu.memref_slice %arg13[%add3A_120, %dma_wait3A_149] : memref<10240x128xf32, #tpu.memory_space<vmem_shared>> -> memref<80x128xf32, #tpu.memory_space<vmem_shared>>
      tpu.wait_dma2 semaphore(%run_scoped3A : memref<!tpu.dma_semaphore, #tpu.memory_space<semaphore_mem>>) src(%dma_wait3A_150 : memref<80x128xf32, #tpu.memory_space<vmem_shared>>) dst(%arg11 : memref<80x128xf32, #tpu.memory_space<vmem>>)
      tpu.yield
    }) : () -> ()
    "tpu.region"() ({
      %run_scoped3A = tpu.sem_alloc : memref<!tpu.dma_semaphore, #tpu.memory_space<semaphore_mem>>
      %dma_start3A = arith.constant 0 : i32
      %dma_start3A_145 = tpu.memref_slice %arg8[%arg0, %add3A_120, %dma_start3A] : memref<2x10240x128xf32, #tpu.memory_space<hbm>> -> memref<1x80x128xf32, #tpu.memory_space<hbm>>
      %dma_start3A_146 = tpu.memref_squeeze %dma_start3A_145 : memref<1x80x128xf32, #tpu.memory_space<hbm>> -> memref<80x128xf32, #tpu.memory_space<hbm>>
      %dma_start3A_147 = arith.constant 0 : i32
      %dma_start3A_148 = tpu.memref_slice %arg8[%arg0, %add3A_120, %dma_start3A_147] : memref<2x10240x128xf32, #tpu.memory_space<hbm>> -> memref<1x80x128xf32, #tpu.memory_space<hbm>>
      %dma_start3A_149 = tpu.memref_squeeze %dma_start3A_148 : memref<1x80x128xf32, #tpu.memory_space<hbm>> -> memref<80x128xf32, #tpu.memory_space<hbm>>
      tpu.enqueue_dma source(%arg11 : memref<80x128xf32, #tpu.memory_space<vmem>>) target(%dma_start3A_149 : memref<80x128xf32, #tpu.memory_space<hbm>>) target_semaphore(%run_scoped3A : memref<!tpu.dma_semaphore, #tpu.memory_space<semaphore_mem>>)
      %dma_wait3A = arith.constant 0 : i32
      %dma_wait3A_150 = tpu.memref_slice %arg8[%arg0, %add3A_120, %dma_wait3A] : memref<2x10240x128xf32, #tpu.memory_space<hbm>> -> memref<1x80x128xf32, #tpu.memory_space<hbm>>
      %dma_wait3A_151 = tpu.memref_squeeze %dma_wait3A_150 : memref<1x80x128xf32, #tpu.memory_space<hbm>> -> memref<80x128xf32, #tpu.memory_space<hbm>>
      %dma_wait3A_152 = arith.constant 0 : i32
      %dma_wait3A_153 = tpu.memref_slice %arg8[%arg0, %add3A_120, %dma_wait3A_152] : memref<2x10240x128xf32, #tpu.memory_space<hbm>> -> memref<1x80x128xf32, #tpu.memory_space<hbm>>
      %dma_wait3A_154 = tpu.memref_squeeze %dma_wait3A_153 : memref<1x80x128xf32, #tpu.memory_space<hbm>> -> memref<80x128xf32, #tpu.memory_space<hbm>>
      tpu.wait_dma2 semaphore(%run_scoped3A : memref<!tpu.dma_semaphore, #tpu.memory_space<semaphore_mem>>) src(%arg11 : memref<80x128xf32, #tpu.memory_space<vmem>>) dst(%dma_wait3A_154 : memref<80x128xf32, #tpu.memory_space<hbm>>)
      tpu.yield
    }) : () -> ()
    %mul3A_121 = arith.constant 640 : i32
    %mul3A_122 = arith.muli %arg1, %mul3A_121 : i32
    %add3A_123 = arith.constant 160 : i32
    %add3A_124 = arith.addi %mul3A_122, %add3A_123 : i32
    "tpu.region"() ({
      %run_scoped3A = tpu.sem_alloc : memref<!tpu.dma_semaphore, #tpu.memory_space<semaphore_mem>>
      %dma_start3A = arith.constant 0 : i32
      %dma_start3A_145 = tpu.memref_slice %arg13[%add3A_124, %dma_start3A] : memref<10240x128xf32, #tpu.memory_space<vmem_shared>> -> memref<80x128xf32, #tpu.memory_space<vmem_shared>>
      %dma_start3A_146 = arith.constant 0 : i32
      %dma_start3A_147 = tpu.memref_slice %arg13[%add3A_124, %dma_start3A_146] : memref<10240x128xf32, #tpu.memory_space<vmem_shared>> -> memref<80x128xf32, #tpu.memory_space<vmem_shared>>
      tpu.enqueue_dma source(%dma_start3A_147 : memref<80x128xf32, #tpu.memory_space<vmem_shared>>) target(%arg11 : memref<80x128xf32, #tpu.memory_space<vmem>>) target_semaphore(%run_scoped3A : memref<!tpu.dma_semaphore, #tpu.memory_space<semaphore_mem>>)
      %dma_wait3A = arith.constant 0 : i32
      %dma_wait3A_148 = tpu.memref_slice %arg13[%add3A_124, %dma_wait3A] : memref<10240x128xf32, #tpu.memory_space<vmem_shared>> -> memref<80x128xf32, #tpu.memory_space<vmem_shared>>
      %dma_wait3A_149 = arith.constant 0 : i32
      %dma_wait3A_150 = tpu.memref_slice %arg13[%add3A_124, %dma_wait3A_149] : memref<10240x128xf32, #tpu.memory_space<vmem_shared>> -> memref<80x128xf32, #tpu.memory_space<vmem_shared>>
      tpu.wait_dma2 semaphore(%run_scoped3A : memref<!tpu.dma_semaphore, #tpu.memory_space<semaphore_mem>>) src(%dma_wait3A_150 : memref<80x128xf32, #tpu.memory_space<vmem_shared>>) dst(%arg11 : memref<80x128xf32, #tpu.memory_space<vmem>>)
      tpu.yield
    }) : () -> ()
    "tpu.region"() ({
      %run_scoped3A = tpu.sem_alloc : memref<!tpu.dma_semaphore, #tpu.memory_space<semaphore_mem>>
      %dma_start3A = arith.constant 0 : i32
      %dma_start3A_145 = tpu.memref_slice %arg8[%arg0, %add3A_124, %dma_start3A] : memref<2x10240x128xf32, #tpu.memory_space<hbm>> -> memref<1x80x128xf32, #tpu.memory_space<hbm>>
      %dma_start3A_146 = tpu.memref_squeeze %dma_start3A_145 : memref<1x80x128xf32, #tpu.memory_space<hbm>> -> memref<80x128xf32, #tpu.memory_space<hbm>>
      %dma_start3A_147 = arith.constant 0 : i32
      %dma_start3A_148 = tpu.memref_slice %arg8[%arg0, %add3A_124, %dma_start3A_147] : memref<2x10240x128xf32, #tpu.memory_space<hbm>> -> memref<1x80x128xf32, #tpu.memory_space<hbm>>
      %dma_start3A_149 = tpu.memref_squeeze %dma_start3A_148 : memref<1x80x128xf32, #tpu.memory_space<hbm>> -> memref<80x128xf32, #tpu.memory_space<hbm>>
      tpu.enqueue_dma source(%arg11 : memref<80x128xf32, #tpu.memory_space<vmem>>) target(%dma_start3A_149 : memref<80x128xf32, #tpu.memory_space<hbm>>) target_semaphore(%run_scoped3A : memref<!tpu.dma_semaphore, #tpu.memory_space<semaphore_mem>>)
      %dma_wait3A = arith.constant 0 : i32
      %dma_wait3A_150 = tpu.memref_slice %arg8[%arg0, %add3A_124, %dma_wait3A] : memref<2x10240x128xf32, #tpu.memory_space<hbm>> -> memref<1x80x128xf32, #tpu.memory_space<hbm>>
      %dma_wait3A_151 = tpu.memref_squeeze %dma_wait3A_150 : memref<1x80x128xf32, #tpu.memory_space<hbm>> -> memref<80x128xf32, #tpu.memory_space<hbm>>
      %dma_wait3A_152 = arith.constant 0 : i32
      %dma_wait3A_153 = tpu.memref_slice %arg8[%arg0, %add3A_124, %dma_wait3A_152] : memref<2x10240x128xf32, #tpu.memory_space<hbm>> -> memref<1x80x128xf32, #tpu.memory_space<hbm>>
      %dma_wait3A_154 = tpu.memref_squeeze %dma_wait3A_153 : memref<1x80x128xf32, #tpu.memory_space<hbm>> -> memref<80x128xf32, #tpu.memory_space<hbm>>
      tpu.wait_dma2 semaphore(%run_scoped3A : memref<!tpu.dma_semaphore, #tpu.memory_space<semaphore_mem>>) src(%arg11 : memref<80x128xf32, #tpu.memory_space<vmem>>) dst(%dma_wait3A_154 : memref<80x128xf32, #tpu.memory_space<hbm>>)
      tpu.yield
    }) : () -> ()
    %mul3A_125 = arith.constant 640 : i32
    %mul3A_126 = arith.muli %arg1, %mul3A_125 : i32
    %add3A_127 = arith.constant 240 : i32
    %add3A_128 = arith.addi %mul3A_126, %add3A_127 : i32
    "tpu.region"() ({
      %run_scoped3A = tpu.sem_alloc : memref<!tpu.dma_semaphore, #tpu.memory_space<semaphore_mem>>
      %dma_start3A = arith.constant 0 : i32
      %dma_start3A_145 = tpu.memref_slice %arg13[%add3A_128, %dma_start3A] : memref<10240x128xf32, #tpu.memory_space<vmem_shared>> -> memref<80x128xf32, #tpu.memory_space<vmem_shared>>
      %dma_start3A_146 = arith.constant 0 : i32
      %dma_start3A_147 = tpu.memref_slice %arg13[%add3A_128, %dma_start3A_146] : memref<10240x128xf32, #tpu.memory_space<vmem_shared>> -> memref<80x128xf32, #tpu.memory_space<vmem_shared>>
      tpu.enqueue_dma source(%dma_start3A_147 : memref<80x128xf32, #tpu.memory_space<vmem_shared>>) target(%arg11 : memref<80x128xf32, #tpu.memory_space<vmem>>) target_semaphore(%run_scoped3A : memref<!tpu.dma_semaphore, #tpu.memory_space<semaphore_mem>>)
      %dma_wait3A = arith.constant 0 : i32
      %dma_wait3A_148 = tpu.memref_slice %arg13[%add3A_128, %dma_wait3A] : memref<10240x128xf32, #tpu.memory_space<vmem_shared>> -> memref<80x128xf32, #tpu.memory_space<vmem_shared>>
      %dma_wait3A_149 = arith.constant 0 : i32
      %dma_wait3A_150 = tpu.memref_slice %arg13[%add3A_128, %dma_wait3A_149] : memref<10240x128xf32, #tpu.memory_space<vmem_shared>> -> memref<80x128xf32, #tpu.memory_space<vmem_shared>>
      tpu.wait_dma2 semaphore(%run_scoped3A : memref<!tpu.dma_semaphore, #tpu.memory_space<semaphore_mem>>) src(%dma_wait3A_150 : memref<80x128xf32, #tpu.memory_space<vmem_shared>>) dst(%arg11 : memref<80x128xf32, #tpu.memory_space<vmem>>)
      tpu.yield
    }) : () -> ()
    "tpu.region"() ({
      %run_scoped3A = tpu.sem_alloc : memref<!tpu.dma_semaphore, #tpu.memory_space<semaphore_mem>>
      %dma_start3A = arith.constant 0 : i32
      %dma_start3A_145 = tpu.memref_slice %arg8[%arg0, %add3A_128, %dma_start3A] : memref<2x10240x128xf32, #tpu.memory_space<hbm>> -> memref<1x80x128xf32, #tpu.memory_space<hbm>>
      %dma_start3A_146 = tpu.memref_squeeze %dma_start3A_145 : memref<1x80x128xf32, #tpu.memory_space<hbm>> -> memref<80x128xf32, #tpu.memory_space<hbm>>
      %dma_start3A_147 = arith.constant 0 : i32
      %dma_start3A_148 = tpu.memref_slice %arg8[%arg0, %add3A_128, %dma_start3A_147] : memref<2x10240x128xf32, #tpu.memory_space<hbm>> -> memref<1x80x128xf32, #tpu.memory_space<hbm>>
      %dma_start3A_149 = tpu.memref_squeeze %dma_start3A_148 : memref<1x80x128xf32, #tpu.memory_space<hbm>> -> memref<80x128xf32, #tpu.memory_space<hbm>>
      tpu.enqueue_dma source(%arg11 : memref<80x128xf32, #tpu.memory_space<vmem>>) target(%dma_start3A_149 : memref<80x128xf32, #tpu.memory_space<hbm>>) target_semaphore(%run_scoped3A : memref<!tpu.dma_semaphore, #tpu.memory_space<semaphore_mem>>)
      %dma_wait3A = arith.constant 0 : i32
      %dma_wait3A_150 = tpu.memref_slice %arg8[%arg0, %add3A_128, %dma_wait3A] : memref<2x10240x128xf32, #tpu.memory_space<hbm>> -> memref<1x80x128xf32, #tpu.memory_space<hbm>>
      %dma_wait3A_151 = tpu.memref_squeeze %dma_wait3A_150 : memref<1x80x128xf32, #tpu.memory_space<hbm>> -> memref<80x128xf32, #tpu.memory_space<hbm>>
      %dma_wait3A_152 = arith.constant 0 : i32
      %dma_wait3A_153 = tpu.memref_slice %arg8[%arg0, %add3A_128, %dma_wait3A_152] : memref<2x10240x128xf32, #tpu.memory_space<hbm>> -> memref<1x80x128xf32, #tpu.memory_space<hbm>>
      %dma_wait3A_154 = tpu.memref_squeeze %dma_wait3A_153 : memref<1x80x128xf32, #tpu.memory_space<hbm>> -> memref<80x128xf32, #tpu.memory_space<hbm>>
      tpu.wait_dma2 semaphore(%run_scoped3A : memref<!tpu.dma_semaphore, #tpu.memory_space<semaphore_mem>>) src(%arg11 : memref<80x128xf32, #tpu.memory_space<vmem>>) dst(%dma_wait3A_154 : memref<80x128xf32, #tpu.memory_space<hbm>>)
      tpu.yield
    }) : () -> ()
    %mul3A_129 = arith.constant 640 : i32
    %mul3A_130 = arith.muli %arg1, %mul3A_129 : i32
    %add3A_131 = arith.constant 320 : i32
    %add3A_132 = arith.addi %mul3A_130, %add3A_131 : i32
    "tpu.region"() ({
      %run_scoped3A = tpu.sem_alloc : memref<!tpu.dma_semaphore, #tpu.memory_space<semaphore_mem>>
      %dma_start3A = arith.constant 0 : i32
      %dma_start3A_145 = tpu.memref_slice %arg13[%add3A_132, %dma_start3A] : memref<10240x128xf32, #tpu.memory_space<vmem_shared>> -> memref<80x128xf32, #tpu.memory_space<vmem_shared>>
      %dma_start3A_146 = arith.constant 0 : i32
      %dma_start3A_147 = tpu.memref_slice %arg13[%add3A_132, %dma_start3A_146] : memref<10240x128xf32, #tpu.memory_space<vmem_shared>> -> memref<80x128xf32, #tpu.memory_space<vmem_shared>>
      tpu.enqueue_dma source(%dma_start3A_147 : memref<80x128xf32, #tpu.memory_space<vmem_shared>>) target(%arg11 : memref<80x128xf32, #tpu.memory_space<vmem>>) target_semaphore(%run_scoped3A : memref<!tpu.dma_semaphore, #tpu.memory_space<semaphore_mem>>)
      %dma_wait3A = arith.constant 0 : i32
      %dma_wait3A_148 = tpu.memref_slice %arg13[%add3A_132, %dma_wait3A] : memref<10240x128xf32, #tpu.memory_space<vmem_shared>> -> memref<80x128xf32, #tpu.memory_space<vmem_shared>>
      %dma_wait3A_149 = arith.constant 0 : i32
      %dma_wait3A_150 = tpu.memref_slice %arg13[%add3A_132, %dma_wait3A_149] : memref<10240x128xf32, #tpu.memory_space<vmem_shared>> -> memref<80x128xf32, #tpu.memory_space<vmem_shared>>
      tpu.wait_dma2 semaphore(%run_scoped3A : memref<!tpu.dma_semaphore, #tpu.memory_space<semaphore_mem>>) src(%dma_wait3A_150 : memref<80x128xf32, #tpu.memory_space<vmem_shared>>) dst(%arg11 : memref<80x128xf32, #tpu.memory_space<vmem>>)
      tpu.yield
    }) : () -> ()
    "tpu.region"() ({
      %run_scoped3A = tpu.sem_alloc : memref<!tpu.dma_semaphore, #tpu.memory_space<semaphore_mem>>
      %dma_start3A = arith.constant 0 : i32
      %dma_start3A_145 = tpu.memref_slice %arg8[%arg0, %add3A_132, %dma_start3A] : memref<2x10240x128xf32, #tpu.memory_space<hbm>> -> memref<1x80x128xf32, #tpu.memory_space<hbm>>
      %dma_start3A_146 = tpu.memref_squeeze %dma_start3A_145 : memref<1x80x128xf32, #tpu.memory_space<hbm>> -> memref<80x128xf32, #tpu.memory_space<hbm>>
      %dma_start3A_147 = arith.constant 0 : i32
      %dma_start3A_148 = tpu.memref_slice %arg8[%arg0, %add3A_132, %dma_start3A_147] : memref<2x10240x128xf32, #tpu.memory_space<hbm>> -> memref<1x80x128xf32, #tpu.memory_space<hbm>>
      %dma_start3A_149 = tpu.memref_squeeze %dma_start3A_148 : memref<1x80x128xf32, #tpu.memory_space<hbm>> -> memref<80x128xf32, #tpu.memory_space<hbm>>
      tpu.enqueue_dma source(%arg11 : memref<80x128xf32, #tpu.memory_space<vmem>>) target(%dma_start3A_149 : memref<80x128xf32, #tpu.memory_space<hbm>>) target_semaphore(%run_scoped3A : memref<!tpu.dma_semaphore, #tpu.memory_space<semaphore_mem>>)
      %dma_wait3A = arith.constant 0 : i32
      %dma_wait3A_150 = tpu.memref_slice %arg8[%arg0, %add3A_132, %dma_wait3A] : memref<2x10240x128xf32, #tpu.memory_space<hbm>> -> memref<1x80x128xf32, #tpu.memory_space<hbm>>
      %dma_wait3A_151 = tpu.memref_squeeze %dma_wait3A_150 : memref<1x80x128xf32, #tpu.memory_space<hbm>> -> memref<80x128xf32, #tpu.memory_space<hbm>>
      %dma_wait3A_152 = arith.constant 0 : i32
      %dma_wait3A_153 = tpu.memref_slice %arg8[%arg0, %add3A_132, %dma_wait3A_152] : memref<2x10240x128xf32, #tpu.memory_space<hbm>> -> memref<1x80x128xf32, #tpu.memory_space<hbm>>
      %dma_wait3A_154 = tpu.memref_squeeze %dma_wait3A_153 : memref<1x80x128xf32, #tpu.memory_space<hbm>> -> memref<80x128xf32, #tpu.memory_space<hbm>>
      tpu.wait_dma2 semaphore(%run_scoped3A : memref<!tpu.dma_semaphore, #tpu.memory_space<semaphore_mem>>) src(%arg11 : memref<80x128xf32, #tpu.memory_space<vmem>>) dst(%dma_wait3A_154 : memref<80x128xf32, #tpu.memory_space<hbm>>)
      tpu.yield
    }) : () -> ()
    %mul3A_133 = arith.constant 640 : i32
    %mul3A_134 = arith.muli %arg1, %mul3A_133 : i32
    %add3A_135 = arith.constant 400 : i32
    %add3A_136 = arith.addi %mul3A_134, %add3A_135 : i32
    "tpu.region"() ({
      %run_scoped3A = tpu.sem_alloc : memref<!tpu.dma_semaphore, #tpu.memory_space<semaphore_mem>>
      %dma_start3A = arith.constant 0 : i32
      %dma_start3A_145 = tpu.memref_slice %arg13[%add3A_136, %dma_start3A] : memref<10240x128xf32, #tpu.memory_space<vmem_shared>> -> memref<80x128xf32, #tpu.memory_space<vmem_shared>>
      %dma_start3A_146 = arith.constant 0 : i32
      %dma_start3A_147 = tpu.memref_slice %arg13[%add3A_136, %dma_start3A_146] : memref<10240x128xf32, #tpu.memory_space<vmem_shared>> -> memref<80x128xf32, #tpu.memory_space<vmem_shared>>
      tpu.enqueue_dma source(%dma_start3A_147 : memref<80x128xf32, #tpu.memory_space<vmem_shared>>) target(%arg11 : memref<80x128xf32, #tpu.memory_space<vmem>>) target_semaphore(%run_scoped3A : memref<!tpu.dma_semaphore, #tpu.memory_space<semaphore_mem>>)
      %dma_wait3A = arith.constant 0 : i32
      %dma_wait3A_148 = tpu.memref_slice %arg13[%add3A_136, %dma_wait3A] : memref<10240x128xf32, #tpu.memory_space<vmem_shared>> -> memref<80x128xf32, #tpu.memory_space<vmem_shared>>
      %dma_wait3A_149 = arith.constant 0 : i32
      %dma_wait3A_150 = tpu.memref_slice %arg13[%add3A_136, %dma_wait3A_149] : memref<10240x128xf32, #tpu.memory_space<vmem_shared>> -> memref<80x128xf32, #tpu.memory_space<vmem_shared>>
      tpu.wait_dma2 semaphore(%run_scoped3A : memref<!tpu.dma_semaphore, #tpu.memory_space<semaphore_mem>>) src(%dma_wait3A_150 : memref<80x128xf32, #tpu.memory_space<vmem_shared>>) dst(%arg11 : memref<80x128xf32, #tpu.memory_space<vmem>>)
      tpu.yield
    }) : () -> ()
    "tpu.region"() ({
      %run_scoped3A = tpu.sem_alloc : memref<!tpu.dma_semaphore, #tpu.memory_space<semaphore_mem>>
      %dma_start3A = arith.constant 0 : i32
      %dma_start3A_145 = tpu.memref_slice %arg8[%arg0, %add3A_136, %dma_start3A] : memref<2x10240x128xf32, #tpu.memory_space<hbm>> -> memref<1x80x128xf32, #tpu.memory_space<hbm>>
      %dma_start3A_146 = tpu.memref_squeeze %dma_start3A_145 : memref<1x80x128xf32, #tpu.memory_space<hbm>> -> memref<80x128xf32, #tpu.memory_space<hbm>>
      %dma_start3A_147 = arith.constant 0 : i32
      %dma_start3A_148 = tpu.memref_slice %arg8[%arg0, %add3A_136, %dma_start3A_147] : memref<2x10240x128xf32, #tpu.memory_space<hbm>> -> memref<1x80x128xf32, #tpu.memory_space<hbm>>
      %dma_start3A_149 = tpu.memref_squeeze %dma_start3A_148 : memref<1x80x128xf32, #tpu.memory_space<hbm>> -> memref<80x128xf32, #tpu.memory_space<hbm>>
      tpu.enqueue_dma source(%arg11 : memref<80x128xf32, #tpu.memory_space<vmem>>) target(%dma_start3A_149 : memref<80x128xf32, #tpu.memory_space<hbm>>) target_semaphore(%run_scoped3A : memref<!tpu.dma_semaphore, #tpu.memory_space<semaphore_mem>>)
      %dma_wait3A = arith.constant 0 : i32
      %dma_wait3A_150 = tpu.memref_slice %arg8[%arg0, %add3A_136, %dma_wait3A] : memref<2x10240x128xf32, #tpu.memory_space<hbm>> -> memref<1x80x128xf32, #tpu.memory_space<hbm>>
      %dma_wait3A_151 = tpu.memref_squeeze %dma_wait3A_150 : memref<1x80x128xf32, #tpu.memory_space<hbm>> -> memref<80x128xf32, #tpu.memory_space<hbm>>
      %dma_wait3A_152 = arith.constant 0 : i32
      %dma_wait3A_153 = tpu.memref_slice %arg8[%arg0, %add3A_136, %dma_wait3A_152] : memref<2x10240x128xf32, #tpu.memory_space<hbm>> -> memref<1x80x128xf32, #tpu.memory_space<hbm>>
      %dma_wait3A_154 = tpu.memref_squeeze %dma_wait3A_153 : memref<1x80x128xf32, #tpu.memory_space<hbm>> -> memref<80x128xf32, #tpu.memory_space<hbm>>
      tpu.wait_dma2 semaphore(%run_scoped3A : memref<!tpu.dma_semaphore, #tpu.memory_space<semaphore_mem>>) src(%arg11 : memref<80x128xf32, #tpu.memory_space<vmem>>) dst(%dma_wait3A_154 : memref<80x128xf32, #tpu.memory_space<hbm>>)
      tpu.yield
    }) : () -> ()
    %mul3A_137 = arith.constant 640 : i32
    %mul3A_138 = arith.muli %arg1, %mul3A_137 : i32
    %add3A_139 = arith.constant 480 : i32
    %add3A_140 = arith.addi %mul3A_138, %add3A_139 : i32
    "tpu.region"() ({
      %run_scoped3A = tpu.sem_alloc : memref<!tpu.dma_semaphore, #tpu.memory_space<semaphore_mem>>
      %dma_start3A = arith.constant 0 : i32
      %dma_start3A_145 = tpu.memref_slice %arg13[%add3A_140, %dma_start3A] : memref<10240x128xf32, #tpu.memory_space<vmem_shared>> -> memref<80x128xf32, #tpu.memory_space<vmem_shared>>
      %dma_start3A_146 = arith.constant 0 : i32
      %dma_start3A_147 = tpu.memref_slice %arg13[%add3A_140, %dma_start3A_146] : memref<10240x128xf32, #tpu.memory_space<vmem_shared>> -> memref<80x128xf32, #tpu.memory_space<vmem_shared>>
      tpu.enqueue_dma source(%dma_start3A_147 : memref<80x128xf32, #tpu.memory_space<vmem_shared>>) target(%arg11 : memref<80x128xf32, #tpu.memory_space<vmem>>) target_semaphore(%run_scoped3A : memref<!tpu.dma_semaphore, #tpu.memory_space<semaphore_mem>>)
      %dma_wait3A = arith.constant 0 : i32
      %dma_wait3A_148 = tpu.memref_slice %arg13[%add3A_140, %dma_wait3A] : memref<10240x128xf32, #tpu.memory_space<vmem_shared>> -> memref<80x128xf32, #tpu.memory_space<vmem_shared>>
      %dma_wait3A_149 = arith.constant 0 : i32
      %dma_wait3A_150 = tpu.memref_slice %arg13[%add3A_140, %dma_wait3A_149] : memref<10240x128xf32, #tpu.memory_space<vmem_shared>> -> memref<80x128xf32, #tpu.memory_space<vmem_shared>>
      tpu.wait_dma2 semaphore(%run_scoped3A : memref<!tpu.dma_semaphore, #tpu.memory_space<semaphore_mem>>) src(%dma_wait3A_150 : memref<80x128xf32, #tpu.memory_space<vmem_shared>>) dst(%arg11 : memref<80x128xf32, #tpu.memory_space<vmem>>)
      tpu.yield
    }) : () -> ()
    "tpu.region"() ({
      %run_scoped3A = tpu.sem_alloc : memref<!tpu.dma_semaphore, #tpu.memory_space<semaphore_mem>>
      %dma_start3A = arith.constant 0 : i32
      %dma_start3A_145 = tpu.memref_slice %arg8[%arg0, %add3A_140, %dma_start3A] : memref<2x10240x128xf32, #tpu.memory_space<hbm>> -> memref<1x80x128xf32, #tpu.memory_space<hbm>>
      %dma_start3A_146 = tpu.memref_squeeze %dma_start3A_145 : memref<1x80x128xf32, #tpu.memory_space<hbm>> -> memref<80x128xf32, #tpu.memory_space<hbm>>
      %dma_start3A_147 = arith.constant 0 : i32
      %dma_start3A_148 = tpu.memref_slice %arg8[%arg0, %add3A_140, %dma_start3A_147] : memref<2x10240x128xf32, #tpu.memory_space<hbm>> -> memref<1x80x128xf32, #tpu.memory_space<hbm>>
      %dma_start3A_149 = tpu.memref_squeeze %dma_start3A_148 : memref<1x80x128xf32, #tpu.memory_space<hbm>> -> memref<80x128xf32, #tpu.memory_space<hbm>>
      tpu.enqueue_dma source(%arg11 : memref<80x128xf32, #tpu.memory_space<vmem>>) target(%dma_start3A_149 : memref<80x128xf32, #tpu.memory_space<hbm>>) target_semaphore(%run_scoped3A : memref<!tpu.dma_semaphore, #tpu.memory_space<semaphore_mem>>)
      %dma_wait3A = arith.constant 0 : i32
      %dma_wait3A_150 = tpu.memref_slice %arg8[%arg0, %add3A_140, %dma_wait3A] : memref<2x10240x128xf32, #tpu.memory_space<hbm>> -> memref<1x80x128xf32, #tpu.memory_space<hbm>>
      %dma_wait3A_151 = tpu.memref_squeeze %dma_wait3A_150 : memref<1x80x128xf32, #tpu.memory_space<hbm>> -> memref<80x128xf32, #tpu.memory_space<hbm>>
      %dma_wait3A_152 = arith.constant 0 : i32
      %dma_wait3A_153 = tpu.memref_slice %arg8[%arg0, %add3A_140, %dma_wait3A_152] : memref<2x10240x128xf32, #tpu.memory_space<hbm>> -> memref<1x80x128xf32, #tpu.memory_space<hbm>>
      %dma_wait3A_154 = tpu.memref_squeeze %dma_wait3A_153 : memref<1x80x128xf32, #tpu.memory_space<hbm>> -> memref<80x128xf32, #tpu.memory_space<hbm>>
      tpu.wait_dma2 semaphore(%run_scoped3A : memref<!tpu.dma_semaphore, #tpu.memory_space<semaphore_mem>>) src(%arg11 : memref<80x128xf32, #tpu.memory_space<vmem>>) dst(%dma_wait3A_154 : memref<80x128xf32, #tpu.memory_space<hbm>>)
      tpu.yield
    }) : () -> ()
    %mul3A_141 = arith.constant 640 : i32
    %mul3A_142 = arith.muli %arg1, %mul3A_141 : i32
    %add3A_143 = arith.constant 560 : i32
    %add3A_144 = arith.addi %mul3A_142, %add3A_143 : i32
    "tpu.region"() ({
      %run_scoped3A = tpu.sem_alloc : memref<!tpu.dma_semaphore, #tpu.memory_space<semaphore_mem>>
      %dma_start3A = arith.constant 0 : i32
      %dma_start3A_145 = tpu.memref_slice %arg13[%add3A_144, %dma_start3A] : memref<10240x128xf32, #tpu.memory_space<vmem_shared>> -> memref<80x128xf32, #tpu.memory_space<vmem_shared>>
      %dma_start3A_146 = arith.constant 0 : i32
      %dma_start3A_147 = tpu.memref_slice %arg13[%add3A_144, %dma_start3A_146] : memref<10240x128xf32, #tpu.memory_space<vmem_shared>> -> memref<80x128xf32, #tpu.memory_space<vmem_shared>>
      tpu.enqueue_dma source(%dma_start3A_147 : memref<80x128xf32, #tpu.memory_space<vmem_shared>>) target(%arg11 : memref<80x128xf32, #tpu.memory_space<vmem>>) target_semaphore(%run_scoped3A : memref<!tpu.dma_semaphore, #tpu.memory_space<semaphore_mem>>)
      %dma_wait3A = arith.constant 0 : i32
      %dma_wait3A_148 = tpu.memref_slice %arg13[%add3A_144, %dma_wait3A] : memref<10240x128xf32, #tpu.memory_space<vmem_shared>> -> memref<80x128xf32, #tpu.memory_space<vmem_shared>>
      %dma_wait3A_149 = arith.constant 0 : i32
      %dma_wait3A_150 = tpu.memref_slice %arg13[%add3A_144, %dma_wait3A_149] : memref<10240x128xf32, #tpu.memory_space<vmem_shared>> -> memref<80x128xf32, #tpu.memory_space<vmem_shared>>
      tpu.wait_dma2 semaphore(%run_scoped3A : memref<!tpu.dma_semaphore, #tpu.memory_space<semaphore_mem>>) src(%dma_wait3A_150 : memref<80x128xf32, #tpu.memory_space<vmem_shared>>) dst(%arg11 : memref<80x128xf32, #tpu.memory_space<vmem>>)
      tpu.yield
    }) : () -> ()
    "tpu.region"() ({
      %run_scoped3A = tpu.sem_alloc : memref<!tpu.dma_semaphore, #tpu.memory_space<semaphore_mem>>
      %dma_start3A = arith.constant 0 : i32
      %dma_start3A_145 = tpu.memref_slice %arg8[%arg0, %add3A_144, %dma_start3A] : memref<2x10240x128xf32, #tpu.memory_space<hbm>> -> memref<1x80x128xf32, #tpu.memory_space<hbm>>
      %dma_start3A_146 = tpu.memref_squeeze %dma_start3A_145 : memref<1x80x128xf32, #tpu.memory_space<hbm>> -> memref<80x128xf32, #tpu.memory_space<hbm>>
      %dma_start3A_147 = arith.constant 0 : i32
      %dma_start3A_148 = tpu.memref_slice %arg8[%arg0, %add3A_144, %dma_start3A_147] : memref<2x10240x128xf32, #tpu.memory_space<hbm>> -> memref<1x80x128xf32, #tpu.memory_space<hbm>>
      %dma_start3A_149 = tpu.memref_squeeze %dma_start3A_148 : memref<1x80x128xf32, #tpu.memory_space<hbm>> -> memref<80x128xf32, #tpu.memory_space<hbm>>
      tpu.enqueue_dma source(%arg11 : memref<80x128xf32, #tpu.memory_space<vmem>>) target(%dma_start3A_149 : memref<80x128xf32, #tpu.memory_space<hbm>>) target_semaphore(%run_scoped3A : memref<!tpu.dma_semaphore, #tpu.memory_space<semaphore_mem>>)
      %dma_wait3A = arith.constant 0 : i32
      %dma_wait3A_150 = tpu.memref_slice %arg8[%arg0, %add3A_144, %dma_wait3A] : memref<2x10240x128xf32, #tpu.memory_space<hbm>> -> memref<1x80x128xf32, #tpu.memory_space<hbm>>
      %dma_wait3A_151 = tpu.memref_squeeze %dma_wait3A_150 : memref<1x80x128xf32, #tpu.memory_space<hbm>> -> memref<80x128xf32, #tpu.memory_space<hbm>>
      %dma_wait3A_152 = arith.constant 0 : i32
      %dma_wait3A_153 = tpu.memref_slice %arg8[%arg0, %add3A_144, %dma_wait3A_152] : memref<2x10240x128xf32, #tpu.memory_space<hbm>> -> memref<1x80x128xf32, #tpu.memory_space<hbm>>
      %dma_wait3A_154 = tpu.memref_squeeze %dma_wait3A_153 : memref<1x80x128xf32, #tpu.memory_space<hbm>> -> memref<80x128xf32, #tpu.memory_space<hbm>>
      tpu.wait_dma2 semaphore(%run_scoped3A : memref<!tpu.dma_semaphore, #tpu.memory_space<semaphore_mem>>) src(%arg11 : memref<80x128xf32, #tpu.memory_space<vmem>>) dst(%dma_wait3A_154 : memref<80x128xf32, #tpu.memory_space<hbm>>)
      tpu.yield
    }) : () -> ()
    return
  }
}

#map = affine_map<(d0, d1) -> (0)>
#map1 = affine_map<(d0, d1) -> (0, 0)>
module attributes {stable_mosaic.version = 14 : i64} {
  func.func @_gather_phase(%arg0: i32, %arg1: i32, %arg2: memref<320000xi32, #tpu.memory_space<hbm>>, %arg3: memref<320000xi32, #tpu.memory_space<hbm>>, %arg4: memref<10240x128xf32, #tpu.memory_space<hbm>>, %arg5: memref<10240x128xf32, #tpu.memory_space<hbm>>, %arg6: memref<320000x128xf32, #tpu.memory_space<hbm>>, %arg7: memref<80xi32, #tpu.memory_space<vmem>>, %arg8: memref<80xi32, #tpu.memory_space<vmem>>, %arg9: memref<80x128xf32, #tpu.memory_space<vmem>>, %arg10: memref<80x128xf32, #tpu.memory_space<vmem>>, %arg11: memref<!tpu.dma_semaphore, #tpu.memory_space<semaphore_mem>>, %arg12: memref<!tpu.dma_semaphore, #tpu.memory_space<semaphore_mem>>) attributes {dimension_semantics = [#tpu.dimension_semantics<core_parallel>, #tpu.dimension_semantics<subcore_parallel>], iteration_bounds = array<i64: 2, 16>, scalar_prefetch = 0 : i64, scratch_operands = 6 : i64, tpu.core_type = #tpu.core_type<sc_vector_subcore>, window_params = [{transform_indices = #map}, {transform_indices = #map}, {transform_indices = #map1}, {transform_indices = #map1}, {transform_indices = #map1}]} {
    %mul3A = arith.constant 16 : i32
    %mul3A_0 = arith.muli %arg0, %mul3A : i32
    %add3A = arith.addi %mul3A_0, %arg1 : i32
    %mul3A_1 = arith.constant 10000 : i32
    %mul3A_2 = arith.muli %add3A, %mul3A_1 : i32
    %scan3A = arith.constant 0 : i32
    %scan3A_3 = arith.constant 0 : i32
    %scan3A_4 = arith.constant 125 : i32
    %scan3A_5 = arith.addi %scan3A_3, %scan3A_4 : i32
    %scan3A_6 = arith.constant 1 : i32
    scf.for %scan3A_8 = %scan3A_3 to %scan3A_5 step %scan3A_6  : i32 {
      %mul3A_9 = arith.constant 80 : i32
      %mul3A_10 = arith.muli %scan3A_8, %mul3A_9 : i32
      %add3A_11 = arith.addi %mul3A_2, %mul3A_10 : i32
      "tpu.region"() ({
        %run_scoped3A = tpu.sem_alloc : memref<!tpu.dma_semaphore, #tpu.memory_space<semaphore_mem>>
        %dma_start3A_28 = tpu.memref_slice %arg2[%add3A_11] : memref<320000xi32, #tpu.memory_space<hbm>> -> memref<80xi32, #tpu.memory_space<hbm>>
        %dma_start3A_29 = tpu.memref_slice %arg2[%add3A_11] : memref<320000xi32, #tpu.memory_space<hbm>> -> memref<80xi32, #tpu.memory_space<hbm>>
        tpu.enqueue_dma source(%dma_start3A_29 : memref<80xi32, #tpu.memory_space<hbm>>) target(%arg7 : memref<80xi32, #tpu.memory_space<vmem>>) target_semaphore(%run_scoped3A : memref<!tpu.dma_semaphore, #tpu.memory_space<semaphore_mem>>)
        %dma_wait3A_30 = tpu.memref_slice %arg2[%add3A_11] : memref<320000xi32, #tpu.memory_space<hbm>> -> memref<80xi32, #tpu.memory_space<hbm>>
        %dma_wait3A_31 = tpu.memref_slice %arg2[%add3A_11] : memref<320000xi32, #tpu.memory_space<hbm>> -> memref<80xi32, #tpu.memory_space<hbm>>
        tpu.wait_dma2 semaphore(%run_scoped3A : memref<!tpu.dma_semaphore, #tpu.memory_space<semaphore_mem>>) src(%dma_wait3A_31 : memref<80xi32, #tpu.memory_space<hbm>>) dst(%arg7 : memref<80xi32, #tpu.memory_space<vmem>>)
        tpu.yield
      }) : () -> ()
      "tpu.region"() ({
        %run_scoped3A = tpu.sem_alloc : memref<!tpu.dma_semaphore, #tpu.memory_space<semaphore_mem>>
        %dma_start3A_28 = tpu.memref_slice %arg3[%add3A_11] : memref<320000xi32, #tpu.memory_space<hbm>> -> memref<80xi32, #tpu.memory_space<hbm>>
        %dma_start3A_29 = tpu.memref_slice %arg3[%add3A_11] : memref<320000xi32, #tpu.memory_space<hbm>> -> memref<80xi32, #tpu.memory_space<hbm>>
        tpu.enqueue_dma source(%dma_start3A_29 : memref<80xi32, #tpu.memory_space<hbm>>) target(%arg8 : memref<80xi32, #tpu.memory_space<vmem>>) target_semaphore(%run_scoped3A : memref<!tpu.dma_semaphore, #tpu.memory_space<semaphore_mem>>)
        %dma_wait3A_30 = tpu.memref_slice %arg3[%add3A_11] : memref<320000xi32, #tpu.memory_space<hbm>> -> memref<80xi32, #tpu.memory_space<hbm>>
        %dma_wait3A_31 = tpu.memref_slice %arg3[%add3A_11] : memref<320000xi32, #tpu.memory_space<hbm>> -> memref<80xi32, #tpu.memory_space<hbm>>
        tpu.wait_dma2 semaphore(%run_scoped3A : memref<!tpu.dma_semaphore, #tpu.memory_space<semaphore_mem>>) src(%dma_wait3A_31 : memref<80xi32, #tpu.memory_space<hbm>>) dst(%arg8 : memref<80xi32, #tpu.memory_space<vmem>>)
        tpu.yield
      }) : () -> ()
      %dma_start3A = arith.constant 0 : i32
      %dma_start3A_12 = arith.constant 0 : i32
      %dma_start3A_13 = tpu.memref_slice %arg4[%dma_start3A, %dma_start3A_12] : memref<10240x128xf32, #tpu.memory_space<hbm>> -> memref<10240x128xf32, #tpu.memory_space<hbm>>
      tpu.enqueue_indirect_dma source(%dma_start3A_13 : memref<10240x128xf32, #tpu.memory_space<hbm>>) target(%arg9 : memref<80x128xf32, #tpu.memory_space<vmem>>) offsets(%arg7 : memref<80xi32, #tpu.memory_space<vmem>>) semaphore(%arg11 : memref<!tpu.dma_semaphore, #tpu.memory_space<semaphore_mem>>)
      %dma_start3A_14 = arith.constant 0 : i32
      %dma_start3A_15 = arith.constant 0 : i32
      %dma_start3A_16 = tpu.memref_slice %arg5[%dma_start3A_14, %dma_start3A_15] : memref<10240x128xf32, #tpu.memory_space<hbm>> -> memref<10240x128xf32, #tpu.memory_space<hbm>>
      tpu.enqueue_indirect_dma source(%dma_start3A_16 : memref<10240x128xf32, #tpu.memory_space<hbm>>) target(%arg10 : memref<80x128xf32, #tpu.memory_space<vmem>>) offsets(%arg8 : memref<80xi32, #tpu.memory_space<vmem>>) semaphore(%arg12 : memref<!tpu.dma_semaphore, #tpu.memory_space<semaphore_mem>>)
      %dma_wait3A = arith.constant 0 : i32
      %dma_wait3A_17 = arith.constant 0 : i32
      %dma_wait3A_18 = tpu.memref_slice %arg4[%dma_wait3A, %dma_wait3A_17] : memref<10240x128xf32, #tpu.memory_space<hbm>> -> memref<10240x128xf32, #tpu.memory_space<hbm>>
      tpu.wait_indirect_dma semaphore(%arg11 : memref<!tpu.dma_semaphore, #tpu.memory_space<semaphore_mem>>) src(%dma_wait3A_18 : memref<10240x128xf32, #tpu.memory_space<hbm>>) dst(%arg9 : memref<80x128xf32, #tpu.memory_space<vmem>>)
      %dma_wait3A_19 = arith.constant 0 : i32
      %dma_wait3A_20 = arith.constant 0 : i32
      %dma_wait3A_21 = tpu.memref_slice %arg5[%dma_wait3A_19, %dma_wait3A_20] : memref<10240x128xf32, #tpu.memory_space<hbm>> -> memref<10240x128xf32, #tpu.memory_space<hbm>>
      tpu.wait_indirect_dma semaphore(%arg12 : memref<!tpu.dma_semaphore, #tpu.memory_space<semaphore_mem>>) src(%dma_wait3A_21 : memref<10240x128xf32, #tpu.memory_space<hbm>>) dst(%arg10 : memref<80x128xf32, #tpu.memory_space<vmem>>)
      %scan3A_22 = arith.constant 0 : i32
      %scan3A_23 = arith.constant 0 : i32
      %scan3A_24 = arith.constant 80 : i32
      %scan3A_25 = arith.addi %scan3A_23, %scan3A_24 : i32
      %scan3A_26 = arith.constant 1 : i32
      scf.for %scan3A_28 = %scan3A_23 to %scan3A_25 step %scan3A_26  : i32 {
        %get3A = arith.index_cast %scan3A_28 : i32 to index
        %get3A_29 = arith.constant 0 : index
        %get3A_30 = tpu.vector_load %arg9[%get3A, %get3A_29] {strides = array<i32>} : memref<80x128xf32, #tpu.memory_space<vmem>>, vector<1x16xf32>,
        %get3A_31 = vector.shape_cast %get3A_30 : vector<1x16xf32> to vector<16xf32>
        %get3A_32 = arith.index_cast %scan3A_28 : i32 to index
        %get3A_33 = arith.constant 0 : index
        %get3A_34 = tpu.vector_load %arg10[%get3A_32, %get3A_33] {strides = array<i32>} : memref<80x128xf32, #tpu.memory_space<vmem>>, vector<1x16xf32>,
        %get3A_35 = vector.shape_cast %get3A_34 : vector<1x16xf32> to vector<16xf32>
        %add3A_36 = arith.addf %get3A_31, %get3A_35 : vector<16xf32>
        %swap3A = arith.index_cast %scan3A_28 : i32 to index
        %swap3A_37 = arith.constant 0 : index
        %swap3A_38 = tpu.vector_load %arg9[%swap3A, %swap3A_37] {strides = array<i32>} : memref<80x128xf32, #tpu.memory_space<vmem>>, vector<1x16xf32>,
        %swap3A_39 = vector.shape_cast %swap3A_38 : vector<1x16xf32> to vector<16xf32>
        %swap3A_40 = vector.shape_cast %add3A_36 : vector<16xf32> to vector<1x16xf32>
        tpu.vector_store %arg9[%swap3A, %swap3A_37], %swap3A_40 {strides = array<i32>} : memref<80x128xf32, #tpu.memory_space<vmem>>, vector<1x16xf32>,
        %get3A_41 = arith.index_cast %scan3A_28 : i32 to index
        %get3A_42 = arith.constant 16 : index
        %get3A_43 = tpu.vector_load %arg9[%get3A_41, %get3A_42] {strides = array<i32>} : memref<80x128xf32, #tpu.memory_space<vmem>>, vector<1x16xf32>,
        %get3A_44 = vector.shape_cast %get3A_43 : vector<1x16xf32> to vector<16xf32>
        %get3A_45 = arith.index_cast %scan3A_28 : i32 to index
        %get3A_46 = arith.constant 16 : index
        %get3A_47 = tpu.vector_load %arg10[%get3A_45, %get3A_46] {strides = array<i32>} : memref<80x128xf32, #tpu.memory_space<vmem>>, vector<1x16xf32>,
        %get3A_48 = vector.shape_cast %get3A_47 : vector<1x16xf32> to vector<16xf32>
        %add3A_49 = arith.addf %get3A_44, %get3A_48 : vector<16xf32>
        %swap3A_50 = arith.index_cast %scan3A_28 : i32 to index
        %swap3A_51 = arith.constant 16 : index
        %swap3A_52 = tpu.vector_load %arg9[%swap3A_50, %swap3A_51] {strides = array<i32>} : memref<80x128xf32, #tpu.memory_space<vmem>>, vector<1x16xf32>,
        %swap3A_53 = vector.shape_cast %swap3A_52 : vector<1x16xf32> to vector<16xf32>
        %swap3A_54 = vector.shape_cast %add3A_49 : vector<16xf32> to vector<1x16xf32>
        tpu.vector_store %arg9[%swap3A_50, %swap3A_51], %swap3A_54 {strides = array<i32>} : memref<80x128xf32, #tpu.memory_space<vmem>>, vector<1x16xf32>,
        %get3A_55 = arith.index_cast %scan3A_28 : i32 to index
        %get3A_56 = arith.constant 32 : index
        %get3A_57 = tpu.vector_load %arg9[%get3A_55, %get3A_56] {strides = array<i32>} : memref<80x128xf32, #tpu.memory_space<vmem>>, vector<1x16xf32>,
        %get3A_58 = vector.shape_cast %get3A_57 : vector<1x16xf32> to vector<16xf32>
        %get3A_59 = arith.index_cast %scan3A_28 : i32 to index
        %get3A_60 = arith.constant 32 : index
        %get3A_61 = tpu.vector_load %arg10[%get3A_59, %get3A_60] {strides = array<i32>} : memref<80x128xf32, #tpu.memory_space<vmem>>, vector<1x16xf32>,
        %get3A_62 = vector.shape_cast %get3A_61 : vector<1x16xf32> to vector<16xf32>
        %add3A_63 = arith.addf %get3A_58, %get3A_62 : vector<16xf32>
        %swap3A_64 = arith.index_cast %scan3A_28 : i32 to index
        %swap3A_65 = arith.constant 32 : index
        %swap3A_66 = tpu.vector_load %arg9[%swap3A_64, %swap3A_65] {strides = array<i32>} : memref<80x128xf32, #tpu.memory_space<vmem>>, vector<1x16xf32>,
        %swap3A_67 = vector.shape_cast %swap3A_66 : vector<1x16xf32> to vector<16xf32>
        %swap3A_68 = vector.shape_cast %add3A_63 : vector<16xf32> to vector<1x16xf32>
        tpu.vector_store %arg9[%swap3A_64, %swap3A_65], %swap3A_68 {strides = array<i32>} : memref<80x128xf32, #tpu.memory_space<vmem>>, vector<1x16xf32>,
        %get3A_69 = arith.index_cast %scan3A_28 : i32 to index
        %get3A_70 = arith.constant 48 : index
        %get3A_71 = tpu.vector_load %arg9[%get3A_69, %get3A_70] {strides = array<i32>} : memref<80x128xf32, #tpu.memory_space<vmem>>, vector<1x16xf32>,
        %get3A_72 = vector.shape_cast %get3A_71 : vector<1x16xf32> to vector<16xf32>
        %get3A_73 = arith.index_cast %scan3A_28 : i32 to index
        %get3A_74 = arith.constant 48 : index
        %get3A_75 = tpu.vector_load %arg10[%get3A_73, %get3A_74] {strides = array<i32>} : memref<80x128xf32, #tpu.memory_space<vmem>>, vector<1x16xf32>,
        %get3A_76 = vector.shape_cast %get3A_75 : vector<1x16xf32> to vector<16xf32>
        %add3A_77 = arith.addf %get3A_72, %get3A_76 : vector<16xf32>
        %swap3A_78 = arith.index_cast %scan3A_28 : i32 to index
        %swap3A_79 = arith.constant 48 : index
        %swap3A_80 = tpu.vector_load %arg9[%swap3A_78, %swap3A_79] {strides = array<i32>} : memref<80x128xf32, #tpu.memory_space<vmem>>, vector<1x16xf32>,
        %swap3A_81 = vector.shape_cast %swap3A_80 : vector<1x16xf32> to vector<16xf32>
        %swap3A_82 = vector.shape_cast %add3A_77 : vector<16xf32> to vector<1x16xf32>
        tpu.vector_store %arg9[%swap3A_78, %swap3A_79], %swap3A_82 {strides = array<i32>} : memref<80x128xf32, #tpu.memory_space<vmem>>, vector<1x16xf32>,
        %get3A_83 = arith.index_cast %scan3A_28 : i32 to index
        %get3A_84 = arith.constant 64 : index
        %get3A_85 = tpu.vector_load %arg9[%get3A_83, %get3A_84] {strides = array<i32>} : memref<80x128xf32, #tpu.memory_space<vmem>>, vector<1x16xf32>,
        %get3A_86 = vector.shape_cast %get3A_85 : vector<1x16xf32> to vector<16xf32>
        %get3A_87 = arith.index_cast %scan3A_28 : i32 to index
        %get3A_88 = arith.constant 64 : index
        %get3A_89 = tpu.vector_load %arg10[%get3A_87, %get3A_88] {strides = array<i32>} : memref<80x128xf32, #tpu.memory_space<vmem>>, vector<1x16xf32>,
        %get3A_90 = vector.shape_cast %get3A_89 : vector<1x16xf32> to vector<16xf32>
        %add3A_91 = arith.addf %get3A_86, %get3A_90 : vector<16xf32>
        %swap3A_92 = arith.index_cast %scan3A_28 : i32 to index
        %swap3A_93 = arith.constant 64 : index
        %swap3A_94 = tpu.vector_load %arg9[%swap3A_92, %swap3A_93] {strides = array<i32>} : memref<80x128xf32, #tpu.memory_space<vmem>>, vector<1x16xf32>,
        %swap3A_95 = vector.shape_cast %swap3A_94 : vector<1x16xf32> to vector<16xf32>
        %swap3A_96 = vector.shape_cast %add3A_91 : vector<16xf32> to vector<1x16xf32>
        tpu.vector_store %arg9[%swap3A_92, %swap3A_93], %swap3A_96 {strides = array<i32>} : memref<80x128xf32, #tpu.memory_space<vmem>>, vector<1x16xf32>,
        %get3A_97 = arith.index_cast %scan3A_28 : i32 to index
        %get3A_98 = arith.constant 80 : index
        %get3A_99 = tpu.vector_load %arg9[%get3A_97, %get3A_98] {strides = array<i32>} : memref<80x128xf32, #tpu.memory_space<vmem>>, vector<1x16xf32>,
        %get3A_100 = vector.shape_cast %get3A_99 : vector<1x16xf32> to vector<16xf32>
        %get3A_101 = arith.index_cast %scan3A_28 : i32 to index
        %get3A_102 = arith.constant 80 : index
        %get3A_103 = tpu.vector_load %arg10[%get3A_101, %get3A_102] {strides = array<i32>} : memref<80x128xf32, #tpu.memory_space<vmem>>, vector<1x16xf32>,
        %get3A_104 = vector.shape_cast %get3A_103 : vector<1x16xf32> to vector<16xf32>
        %add3A_105 = arith.addf %get3A_100, %get3A_104 : vector<16xf32>
        %swap3A_106 = arith.index_cast %scan3A_28 : i32 to index
        %swap3A_107 = arith.constant 80 : index
        %swap3A_108 = tpu.vector_load %arg9[%swap3A_106, %swap3A_107] {strides = array<i32>} : memref<80x128xf32, #tpu.memory_space<vmem>>, vector<1x16xf32>,
        %swap3A_109 = vector.shape_cast %swap3A_108 : vector<1x16xf32> to vector<16xf32>
        %swap3A_110 = vector.shape_cast %add3A_105 : vector<16xf32> to vector<1x16xf32>
        tpu.vector_store %arg9[%swap3A_106, %swap3A_107], %swap3A_110 {strides = array<i32>} : memref<80x128xf32, #tpu.memory_space<vmem>>, vector<1x16xf32>,
        %get3A_111 = arith.index_cast %scan3A_28 : i32 to index
        %get3A_112 = arith.constant 96 : index
        %get3A_113 = tpu.vector_load %arg9[%get3A_111, %get3A_112] {strides = array<i32>} : memref<80x128xf32, #tpu.memory_space<vmem>>, vector<1x16xf32>,
        %get3A_114 = vector.shape_cast %get3A_113 : vector<1x16xf32> to vector<16xf32>
        %get3A_115 = arith.index_cast %scan3A_28 : i32 to index
        %get3A_116 = arith.constant 96 : index
        %get3A_117 = tpu.vector_load %arg10[%get3A_115, %get3A_116] {strides = array<i32>} : memref<80x128xf32, #tpu.memory_space<vmem>>, vector<1x16xf32>,
        %get3A_118 = vector.shape_cast %get3A_117 : vector<1x16xf32> to vector<16xf32>
        %add3A_119 = arith.addf %get3A_114, %get3A_118 : vector<16xf32>
        %swap3A_120 = arith.index_cast %scan3A_28 : i32 to index
        %swap3A_121 = arith.constant 96 : index
        %swap3A_122 = tpu.vector_load %arg9[%swap3A_120, %swap3A_121] {strides = array<i32>} : memref<80x128xf32, #tpu.memory_space<vmem>>, vector<1x16xf32>,
        %swap3A_123 = vector.shape_cast %swap3A_122 : vector<1x16xf32> to vector<16xf32>
        %swap3A_124 = vector.shape_cast %add3A_119 : vector<16xf32> to vector<1x16xf32>
        tpu.vector_store %arg9[%swap3A_120, %swap3A_121], %swap3A_124 {strides = array<i32>} : memref<80x128xf32, #tpu.memory_space<vmem>>, vector<1x16xf32>,
        %get3A_125 = arith.index_cast %scan3A_28 : i32 to index
        %get3A_126 = arith.constant 112 : index
        %get3A_127 = tpu.vector_load %arg9[%get3A_125, %get3A_126] {strides = array<i32>} : memref<80x128xf32, #tpu.memory_space<vmem>>, vector<1x16xf32>,
        %get3A_128 = vector.shape_cast %get3A_127 : vector<1x16xf32> to vector<16xf32>
        %get3A_129 = arith.index_cast %scan3A_28 : i32 to index
        %get3A_130 = arith.constant 112 : index
        %get3A_131 = tpu.vector_load %arg10[%get3A_129, %get3A_130] {strides = array<i32>} : memref<80x128xf32, #tpu.memory_space<vmem>>, vector<1x16xf32>,
        %get3A_132 = vector.shape_cast %get3A_131 : vector<1x16xf32> to vector<16xf32>
        %add3A_133 = arith.addf %get3A_128, %get3A_132 : vector<16xf32>
        %swap3A_134 = arith.index_cast %scan3A_28 : i32 to index
        %swap3A_135 = arith.constant 112 : index
        %swap3A_136 = tpu.vector_load %arg9[%swap3A_134, %swap3A_135] {strides = array<i32>} : memref<80x128xf32, #tpu.memory_space<vmem>>, vector<1x16xf32>,
        %swap3A_137 = vector.shape_cast %swap3A_136 : vector<1x16xf32> to vector<16xf32>
        %swap3A_138 = vector.shape_cast %add3A_133 : vector<16xf32> to vector<1x16xf32>
        tpu.vector_store %arg9[%swap3A_134, %swap3A_135], %swap3A_138 {strides = array<i32>} : memref<80x128xf32, #tpu.memory_space<vmem>>, vector<1x16xf32>,
      }
      %scan3A_27 = arith.constant 80 : i32
      "tpu.region"() ({
        %run_scoped3A = tpu.sem_alloc : memref<!tpu.dma_semaphore, #tpu.memory_space<semaphore_mem>>
        %dma_start3A_28 = arith.constant 0 : i32
        %dma_start3A_29 = tpu.memref_slice %arg6[%add3A_11, %dma_start3A_28] : memref<320000x128xf32, #tpu.memory_space<hbm>> -> memref<80x128xf32, #tpu.memory_space<hbm>>
        %dma_start3A_30 = arith.constant 0 : i32
        %dma_start3A_31 = tpu.memref_slice %arg6[%add3A_11, %dma_start3A_30] : memref<320000x128xf32, #tpu.memory_space<hbm>> -> memref<80x128xf32, #tpu.memory_space<hbm>>
        tpu.enqueue_dma source(%arg9 : memref<80x128xf32, #tpu.memory_space<vmem>>) target(%dma_start3A_31 : memref<80x128xf32, #tpu.memory_space<hbm>>) target_semaphore(%run_scoped3A : memref<!tpu.dma_semaphore, #tpu.memory_space<semaphore_mem>>)
        %dma_wait3A_32 = arith.constant 0 : i32
        %dma_wait3A_33 = tpu.memref_slice %arg6[%add3A_11, %dma_wait3A_32] : memref<320000x128xf32, #tpu.memory_space<hbm>> -> memref<80x128xf32, #tpu.memory_space<hbm>>
        %dma_wait3A_34 = arith.constant 0 : i32
        %dma_wait3A_35 = tpu.memref_slice %arg6[%add3A_11, %dma_wait3A_34] : memref<320000x128xf32, #tpu.memory_space<hbm>> -> memref<80x128xf32, #tpu.memory_space<hbm>>
        tpu.wait_dma2 semaphore(%run_scoped3A : memref<!tpu.dma_semaphore, #tpu.memory_space<semaphore_mem>>) src(%arg9 : memref<80x128xf32, #tpu.memory_space<vmem>>) dst(%dma_wait3A_35 : memref<80x128xf32, #tpu.memory_space<hbm>>)
        tpu.yield
      }) : () -> ()
    }
    %scan3A_7 = arith.constant 125 : i32
    return
  }
}

module attributes {stable_mosaic.version = 14 : i64} {
  func.func @_node_body(%arg0: i32, %arg1: memref<2x1024x128xf32, #tpu.memory_space<vmem>>, %arg2: memref<2x1024x128xf32, #tpu.memory_space<vmem>>, %arg3: memref<1024x128xf32, #tpu.memory_space<vmem>>, %arg4: memref<256x128xf32, #tpu.memory_space<vmem>>, %arg5: memref<1x128xf32, #tpu.memory_space<vmem>>, %arg6: memref<256x128xf32, #tpu.memory_space<vmem>>, %arg7: memref<1x128xf32, #tpu.memory_space<vmem>>, %arg8: memref<256x128xf32, #tpu.memory_space<vmem>>, %arg9: memref<1x128xf32, #tpu.memory_space<vmem>>, %arg10: memref<1024x128xf32, #tpu.memory_space<vmem>>, %arg11: memref<1024x128xf32, #tpu.memory_space<vmem>>) attributes {dimension_semantics = [#tpu.dimension_semantics<arbitrary>], iteration_bounds = array<i64: 10>, scalar_prefetch = 0 : i64, scratch_operands = 0 : i64, tpu.core_type = #tpu.core_type<tc>, window_params = [{transform_indices = @transform_0, window_bounds = array<i64: 2, 1024, 128>}, {transform_indices = @transform_1, window_bounds = array<i64: 2, 1024, 128>}, {transform_indices = @transform_2, window_bounds = array<i64: 1024, 128>}, {pipeline_mode = #tpu.pipeline_mode<synchronous>, transform_indices = @transform_3, window_bounds = array<i64: 256, 128>}, {pipeline_mode = #tpu.pipeline_mode<synchronous>, transform_indices = @transform_4, window_bounds = array<i64: 1, 128>}, {pipeline_mode = #tpu.pipeline_mode<synchronous>, transform_indices = @transform_5, window_bounds = array<i64: 256, 128>}, {pipeline_mode = #tpu.pipeline_mode<synchronous>, transform_indices = @transform_6, window_bounds = array<i64: 1, 128>}, {pipeline_mode = #tpu.pipeline_mode<synchronous>, transform_indices = @transform_7, window_bounds = array<i64: 256, 128>}, {pipeline_mode = #tpu.pipeline_mode<synchronous>, transform_indices = @transform_8, window_bounds = array<i64: 1, 128>}, {transform_indices = @transform_9, window_bounds = array<i64: 1024, 128>}, {transform_indices = @transform_10, window_bounds = array<i64: 1024, 128>}]} {
    %get3A = arith.constant 0 : index
    %get3A_0 = arith.constant 0 : index
    %get3A_1 = arith.constant 0 : index
    %get3A_2 = vector.load %arg1[%get3A, %get3A_0, %get3A_1] : memref<2x1024x128xf32, #tpu.memory_space<vmem>>, vector<1x1024x128xf32>
    %get3A_3 = vector.shape_cast %get3A_2 : vector<1x1024x128xf32> to vector<1024x128xf32>
    %get3A_4 = arith.constant 1 : index
    %get3A_5 = arith.constant 0 : index
    %get3A_6 = arith.constant 0 : index
    %get3A_7 = vector.load %arg1[%get3A_4, %get3A_5, %get3A_6] : memref<2x1024x128xf32, #tpu.memory_space<vmem>>, vector<1x1024x128xf32>
    %get3A_8 = vector.shape_cast %get3A_7 : vector<1x1024x128xf32> to vector<1024x128xf32>
    %add3A = arith.addf %get3A_3, %get3A_8 : vector<1024x128xf32>
    %get3A_9 = arith.constant 0 : index
    %get3A_10 = arith.constant 0 : index
    %get3A_11 = arith.constant 0 : index
    %get3A_12 = vector.load %arg2[%get3A_9, %get3A_10, %get3A_11] : memref<2x1024x128xf32, #tpu.memory_space<vmem>>, vector<1x1024x128xf32>
    %get3A_13 = vector.shape_cast %get3A_12 : vector<1x1024x128xf32> to vector<1024x128xf32>
    %get3A_14 = arith.constant 1 : index
    %get3A_15 = arith.constant 0 : index
    %get3A_16 = arith.constant 0 : index
    %get3A_17 = vector.load %arg2[%get3A_14, %get3A_15, %get3A_16] : memref<2x1024x128xf32, #tpu.memory_space<vmem>>, vector<1x1024x128xf32>
    %get3A_18 = vector.shape_cast %get3A_17 : vector<1x1024x128xf32> to vector<1024x128xf32>
    %add3A_19 = arith.addf %get3A_13, %get3A_18 : vector<1024x128xf32>
    %slice3A = vector.extract_strided_slice %add3A_19 {offsets = [0, 0], sizes = [1024, 1], strides = [1, 1]} : vector<1024x128xf32> to vector<1024x1xf32>
    %max3A = arith.constant 1.000000e+00 : f32
    %max3A_20 = vector.broadcast %max3A : f32 to vector<1024x1xf32>
    %max3A_21 = arith.maximumf %slice3A, %max3A_20 : vector<1024x1xf32>
    %div3A = arith.constant 1.000000e+00 : f32
    %div3A_22 = vector.broadcast %div3A : f32 to vector<1024x1xf32>
    %div3A_23 = arith.divf %div3A_22, %max3A_21 : vector<1024x1xf32>
    %gt3A = arith.constant 0.000000e+00 : f32
    %gt3A_24 = vector.broadcast %gt3A : f32 to vector<1024x1xf32>
    %gt3A_25 = arith.cmpf ogt, %slice3A, %gt3A_24 : vector<1024x1xf32>
    %convert_element_type3A = arith.extui %gt3A_25 : vector<1024x1xi1> to vector<1024x1xi32>
    %convert_element_type3A_26 = arith.sitofp %convert_element_type3A : vector<1024x1xi32> to vector<1024x1xf32>
    %get3A_27 = arith.constant 0 : index
    %get3A_28 = arith.constant 0 : index
    %get3A_29 = vector.load %arg3[%get3A_27, %get3A_28] : memref<1024x128xf32, #tpu.memory_space<vmem>>, vector<1024x128xf32>
    %mul3A = vector.broadcast %div3A_23 : vector<1024x1xf32> to vector<1024x128xf32>
    %mul3A_30 = arith.mulf %add3A, %mul3A : vector<1024x128xf32>
    %get3A_31 = arith.constant 0 : index
    %get3A_32 = arith.constant 0 : index
    %get3A_33 = vector.load %arg4[%get3A_31, %get3A_32] : memref<256x128xf32, #tpu.memory_space<vmem>>, vector<128x128xf32>
    %dot_general3A = arith.constant dense<0.000000e+00> : vector<1024x128xf32>
    %dot_general3A_34 = tpu.matmul %mul3A_30, %get3A_33, %dot_general3A {dimension_numbers = #tpu.dot_dimension_numbers<[1], [0], [0], [1], [0, 0, 1, 1], [], []>, transpose_lhs_hint = false} : vector<1024x128xf32>, vector<128x128xf32>, vector<1024x128xf32> -> vector<1024x128xf32>
    %get3A_35 = arith.constant 128 : index
    %get3A_36 = arith.constant 0 : index
    %get3A_37 = vector.load %arg4[%get3A_35, %get3A_36] : memref<256x128xf32, #tpu.memory_space<vmem>>, vector<128x128xf32>
    %dot_general3A_38 = arith.constant dense<0.000000e+00> : vector<1024x128xf32>
    %dot_general3A_39 = tpu.matmul %get3A_29, %get3A_37, %dot_general3A_38 {dimension_numbers = #tpu.dot_dimension_numbers<[1], [0], [0], [1], [0, 0, 1, 1], [], []>, transpose_lhs_hint = false} : vector<1024x128xf32>, vector<128x128xf32>, vector<1024x128xf32> -> vector<1024x128xf32>
    %get3A_40 = arith.constant 0 : index
    %get3A_41 = arith.constant 0 : index
    %get3A_42 = vector.load %arg5[%get3A_40, %get3A_41] : memref<1x128xf32, #tpu.memory_space<vmem>>, vector<1x128xf32>
    %add3A_43 = vector.broadcast %get3A_42 : vector<1x128xf32> to vector<1024x128xf32>
    %add3A_44 = arith.addf %dot_general3A_39, %add3A_43 : vector<1024x128xf32>
    %mul3A_45 = vector.broadcast %convert_element_type3A_26 : vector<1024x1xf32> to vector<1024x128xf32>
    %mul3A_46 = arith.mulf %mul3A_45, %add3A_44 : vector<1024x128xf32>
    %add3A_47 = arith.addf %dot_general3A_34, %mul3A_46 : vector<1024x128xf32>
    %get3A_48 = arith.constant 0 : index
    %get3A_49 = arith.constant 0 : index
    %get3A_50 = vector.load %arg6[%get3A_48, %get3A_49] : memref<256x128xf32, #tpu.memory_space<vmem>>, vector<128x128xf32>
    %dot_general3A_51 = arith.constant dense<0.000000e+00> : vector<1024x128xf32>
    %dot_general3A_52 = tpu.matmul %get3A_29, %get3A_50, %dot_general3A_51 {dimension_numbers = #tpu.dot_dimension_numbers<[1], [0], [0], [1], [0, 0, 1, 1], [], []>, transpose_lhs_hint = false} : vector<1024x128xf32>, vector<128x128xf32>, vector<1024x128xf32> -> vector<1024x128xf32>
    %get3A_53 = arith.constant 128 : index
    %get3A_54 = arith.constant 0 : index
    %get3A_55 = vector.load %arg6[%get3A_53, %get3A_54] : memref<256x128xf32, #tpu.memory_space<vmem>>, vector<128x128xf32>
    %dot_general3A_56 = arith.constant dense<0.000000e+00> : vector<1024x128xf32>
    %dot_general3A_57 = tpu.matmul %add3A_47, %get3A_55, %dot_general3A_56 {dimension_numbers = #tpu.dot_dimension_numbers<[1], [0], [0], [1], [0, 0, 1, 1], [], []>, transpose_lhs_hint = false} : vector<1024x128xf32>, vector<128x128xf32>, vector<1024x128xf32> -> vector<1024x128xf32>
    %add3A_58 = arith.addf %dot_general3A_52, %dot_general3A_57 : vector<1024x128xf32>
    %get3A_59 = arith.constant 0 : index
    %get3A_60 = arith.constant 0 : index
    %get3A_61 = vector.load %arg7[%get3A_59, %get3A_60] : memref<1x128xf32, #tpu.memory_space<vmem>>, vector<1x128xf32>
    %add3A_62 = vector.broadcast %get3A_61 : vector<1x128xf32> to vector<1024x128xf32>
    %add3A_63 = arith.addf %add3A_58, %add3A_62 : vector<1024x128xf32>
    %get3A_64 = arith.constant 0 : index
    %get3A_65 = arith.constant 0 : index
    %get3A_66 = vector.load %arg8[%get3A_64, %get3A_65] : memref<256x128xf32, #tpu.memory_space<vmem>>, vector<128x128xf32>
    %dot_general3A_67 = arith.constant dense<0.000000e+00> : vector<1024x128xf32>
    %dot_general3A_68 = tpu.matmul %add3A_63, %get3A_66, %dot_general3A_67 {dimension_numbers = #tpu.dot_dimension_numbers<[1], [0], [0], [1], [0, 0, 1, 1], [], []>, transpose_lhs_hint = false} : vector<1024x128xf32>, vector<128x128xf32>, vector<1024x128xf32> -> vector<1024x128xf32>
    %swap3A = arith.constant 0 : index
    %swap3A_69 = arith.constant 0 : index
    %swap3A_70 = vector.load %arg10[%swap3A, %swap3A_69] : memref<1024x128xf32, #tpu.memory_space<vmem>>, vector<1024x128xf32>
    tpu.vector_store %arg10[%swap3A, %swap3A_69], %dot_general3A_68 {strides = array<i32>} : memref<1024x128xf32, #tpu.memory_space<vmem>>, vector<1024x128xf32>,
    %get3A_71 = arith.constant 128 : index
    %get3A_72 = arith.constant 0 : index
    %get3A_73 = vector.load %arg8[%get3A_71, %get3A_72] : memref<256x128xf32, #tpu.memory_space<vmem>>, vector<128x128xf32>
    %dot_general3A_74 = arith.constant dense<0.000000e+00> : vector<1024x128xf32>
    %dot_general3A_75 = tpu.matmul %add3A_63, %get3A_73, %dot_general3A_74 {dimension_numbers = #tpu.dot_dimension_numbers<[1], [0], [0], [1], [0, 0, 1, 1], [], []>, transpose_lhs_hint = false} : vector<1024x128xf32>, vector<128x128xf32>, vector<1024x128xf32> -> vector<1024x128xf32>
    %get3A_76 = arith.constant 0 : index
    %get3A_77 = arith.constant 0 : index
    %get3A_78 = vector.load %arg9[%get3A_76, %get3A_77] : memref<1x128xf32, #tpu.memory_space<vmem>>, vector<1x128xf32>
    %add3A_79 = vector.broadcast %get3A_78 : vector<1x128xf32> to vector<1024x128xf32>
    %add3A_80 = arith.addf %dot_general3A_75, %add3A_79 : vector<1024x128xf32>
    %swap3A_81 = arith.constant 0 : index
    %swap3A_82 = arith.constant 0 : index
    %swap3A_83 = vector.load %arg11[%swap3A_81, %swap3A_82] : memref<1024x128xf32, #tpu.memory_space<vmem>>, vector<1024x128xf32>
    tpu.vector_store %arg11[%swap3A_81, %swap3A_82], %add3A_80 {strides = array<i32>} : memref<1024x128xf32, #tpu.memory_space<vmem>>, vector<1024x128xf32>,
    return
  }
  func.func @transform_0(%arg0: i32) -> (i32, i32, i32) {
    %c0_i32 = arith.constant 0 : i32
    %c0_i32_0 = arith.constant 0 : i32
    %c0_i32_1 = arith.constant 0 : i32
    return %c0_i32, %arg0, %c0_i32_0 : i32, i32, i32
  }
  func.func @transform_1(%arg0: i32) -> (i32, i32, i32) {
    %c0_i32 = arith.constant 0 : i32
    %c0_i32_0 = arith.constant 0 : i32
    %c0_i32_1 = arith.constant 0 : i32
    return %c0_i32, %arg0, %c0_i32_0 : i32, i32, i32
  }
  func.func @transform_2(%arg0: i32) -> (i32, i32) {
    %c0_i32 = arith.constant 0 : i32
    %c0_i32_0 = arith.constant 0 : i32
    return %arg0, %c0_i32 : i32, i32
  }
  func.func @transform_3(%arg0: i32) -> (i32, i32) {
    %c0_i32 = arith.constant 0 : i32
    %c0_i32_0 = arith.constant 0 : i32
    %c0_i32_1 = arith.constant 0 : i32
    return %c0_i32, %c0_i32_0 : i32, i32
  }
  func.func @transform_4(%arg0: i32) -> (i32, i32) {
    %c0_i32 = arith.constant 0 : i32
    %c0_i32_0 = arith.constant 0 : i32
    %c0_i32_1 = arith.constant 0 : i32
    return %c0_i32, %c0_i32_0 : i32, i32
  }
  func.func @transform_5(%arg0: i32) -> (i32, i32) {
    %c0_i32 = arith.constant 0 : i32
    %c0_i32_0 = arith.constant 0 : i32
    %c0_i32_1 = arith.constant 0 : i32
    return %c0_i32, %c0_i32_0 : i32, i32
  }
  func.func @transform_6(%arg0: i32) -> (i32, i32) {
    %c0_i32 = arith.constant 0 : i32
    %c0_i32_0 = arith.constant 0 : i32
    %c0_i32_1 = arith.constant 0 : i32
    return %c0_i32, %c0_i32_0 : i32, i32
  }
  func.func @transform_7(%arg0: i32) -> (i32, i32) {
    %c0_i32 = arith.constant 0 : i32
    %c0_i32_0 = arith.constant 0 : i32
    %c0_i32_1 = arith.constant 0 : i32
    return %c0_i32, %c0_i32_0 : i32, i32
  }
  func.func @transform_8(%arg0: i32) -> (i32, i32) {
    %c0_i32 = arith.constant 0 : i32
    %c0_i32_0 = arith.constant 0 : i32
    %c0_i32_1 = arith.constant 0 : i32
    return %c0_i32, %c0_i32_0 : i32, i32
  }
  func.func @transform_9(%arg0: i32) -> (i32, i32) {
    %c0_i32 = arith.constant 0 : i32
    %c0_i32_0 = arith.constant 0 : i32
    return %arg0, %c0_i32 : i32, i32
  }
  func.func @transform_10(%arg0: i32) -> (i32, i32) {
    %c0_i32 = arith.constant 0 : i32
    %c0_i32_0 = arith.constant 0 : i32
    return %arg0, %c0_i32 : i32, i32
  }
}

</mosaic_0001>

<sc_bundles>
// kernel: kernel.5.cloned.1.call-start
scs
__scs_entry_jumppad:
0x0: {  	(pc) =	sbr.rel $0x88, $3  }
0x1: {  	(tag) =	ssettag $0x0;
	lr =	simm.s32 $0x1  }
0x2: {  	[smem:$0x3F99] =	sst lr;
	_ =	strace $0xD0000000  }
0x3: {  	_ = 	snop  }
0x4: {  	_ = 	snop  }
0x5: {  	_ = 	snop  }
0x6: {  	_ = 	snop  }
0x7: {  	_ = 	snop  }
__scs_overlays_trampoline_lowered:
0x8: {  	[smem:$0x3FA8] =	sst s0  }
0x9: {  	[smem:$0x3FA9] =	sst s1  }
0xa: {  	[smem:$0x3FAA] =	sst s2  }
0xb: {  	[smem:$0x3FAB] =	sst s3  }
0xc: {  	[smem:$0x3FAC] =	sst s4  }
0xd: {  	[smem:$0x3FAD] =	sst s5  }
0xe: {  	[smem:$0x3FAE] =	sst s6  }
0xf: {  	[smem:$0x3FAF] =	sst s7  }
0x10: {  	[smem:$0x3FB0] =	sst s8  }
0x11: {  	[smem:$0x3FB1] =	sst s9;
	s0 =	simm.s32 @!p0 $0x0  }
0x12: {  	s1 =	sld [smem:$0x3F97];
	s0 =	simm.s32 @p0 $0x1  }
0x13: {  	[smem:$0x3FB2] =	sst s0;
	s0 =	simm.s32 @!p1 $0x0  }
0x14: {  	s2 =	sld [smem:$0x3F96];
	s0 =	simm.s32 @p1 $0x1  }
0x15: {  	[smem:$0x3FB3] =	sst s0;
	s0 =	simm.s32 @!p2 $0x0  }
0x16: {  	s3 =	sld [smem:$0x3FDB];
	s0 =	simm.s32 @p2 $0x1  }
0x17: {  	s4 =	simm.s32 $0x1BF5;
	[smem:$0x3FB5] =	sst s0  }
0x18: {  	s0 =	sld [smem:$0x3F98];
	_ =	swait.ge [sflag:s4], $0x0  }
0x19: {  	s7 =	sld [smem:$0x3F99]  }
0x1a: {  	s8 =	sadd.s32 $0xFFFFE003, lr  }
0x1b: {  	s9 =	sadd.s32 $0xFFFFFEF7, lr;
	s5 =	simm.s32 $0xFFFFFFFF;
	p2 =	slt.u32 s8, $0xFFFFF086  }
0x1c: {  	p1 =	slt.u32 s9, $0xF7A;
	s5 =	simm.s32 @!p2 $0x0  }
0x1d: {  	s5 =	simm.s32 @p1 $0x1;
	p0 =	seq.s32 s7, s2  }
0x1e: {  	s7 =	smul.u32 @!p0 $0xF7A, s2;
	p2 =	seq.s32 @!p0 s5, $0x0  }
0x1f: {  	s9 =	smul.u32 $0xF7A, s1;
	s8 =	simm.s32 @!p0 $0x1BF5;
	p2 =	por !p2, p0  }
0x20: {  	[sflag:s8] =	ssyncset.s32 @!p0 $0xFFFFF086;
	s6 =	sadd.s32 @!p0 s3, s7;
	s7 =	simm.s32 @!p0 $0x108  }
0x21: {  	s3 =	sadd.s32 s3, s9;
	s6 =	sadd.s32 @!p0 $0x88, s6;
	s7 =	simm.s32 @p2 $0x1082  }
0x22: {  	[simem:s7], [sflag:s8] =	dma.local @!p0 [hbm:s6], $0xF7A  }
0x23: {  	s9 =	sor.u32 $0xD0000000, s2;
	s6 =	simm.s32 $0x108;
	_ =	swait.ge @!p0 [sflag:s8], $0x0  }
0x24: {  	s3 =	sadd.s32 $0x88, s3;
	s6 =	simm.s32 @!p1 $0x1082;
	[sflag:s4] =	ssyncset.s32 $0xFFFFF086  }
0x25: {  	[simem:s6], [sflag:s4] =	dma.local [hbm:s3], $0xF7A  }
0x26: {  	[smem:$0x3F99] =	sst s1;
	(tag) =	ssettag s2;
	_ =	strace s9  }
0x27: {  	s1 =	sld [smem:$0x3FA9]  }
0x28: {  	s2 =	sld [smem:$0x3FAA]  }
0x29: {  	s4 =	sld [smem:$0x3FAC]  }
0x2a: {  	p0 =	seq.s32 s5, $0x0;
	s5 =	sld [smem:$0x3FAD]  }
0x2b: {  	s6 =	sld [smem:$0x3FAE]  }
0x2c: {  	s7 =	sld [smem:$0x3FAF]  }
0x2d: {  	s3 =	simm.s32 $0x108;
	s8 =	sld [smem:$0x3FB0]  }
0x2e: {  	s3 =	simm.s32 @!p0 $0x1082;
	s9 =	sld [smem:$0x3FB1]  }
0x2f: {  	lr =	sadd.s32 s0, s3;
	s0 =	sld [smem:$0x3FA8]  }
0x30: {  	s3 =	sld [smem:$0x3FAB]  }
0x31: {  	[smem:$0x3FB4] =	sst s10  }
0x32: {  	s10 =	sld [smem:$0x3FB2];
	_ =	sdelay $0x3  }
0x33: {  	p0 =	seq.s32 s10, $0x1;
	s10 =	sld [smem:$0x3FB4];
	_ =	sdelay $0x3  }
0x34: {  	[smem:$0x3FB4] =	sst s10  }
0x35: {  	s10 =	sld [smem:$0x3FB3];
	_ =	sdelay $0x3  }
0x36: {  	p1 =	seq.s32 s10, $0x1;
	s10 =	sld [smem:$0x3FB4];
	_ =	sdelay $0x3  }
0x37: {  	[smem:$0x3FB4] =	sst s10  }
0x38: {  	s10 =	sld [smem:$0x3FB5]  }
0x39: {  	_ = 	snop;
	(pc) =	sbr.ind lr, $3  }
0x3a: {  	_ = 	snop  }
0x3b: {  	_ = 	snop  }
0x3c: {  	p2 =	seq.s32 s10, $0x1;
	s10 =	sld [smem:$0x3FB4]  }
0x3d: {  	_ =	shalt  }
0x3e: {  	_ =	shalt  }
0x3f: {  	_ =	shalt  }
0x40: {  	_ =	shalt  }
0x41: {  	_ =	shalt  }
0x42: {  	_ =	shalt  }
0x43: {  	_ =	shalt  }
0x44: {  	_ =	shalt  }
0x45: {  	_ =	shalt  }
0x46: {  	_ =	shalt  }
0x47: {  	_ =	shalt  }
0x48: {  	_ =	shalt  }
0x49: {  	_ =	shalt  }
0x4a: {  	_ =	shalt  }
0x4b: {  	_ =	shalt  }
0x4c: {  	_ =	shalt  }
0x4d: {  	_ =	shalt  }
0x4e: {  	_ =	shalt  }
0x4f: {  	_ =	shalt  }
0x50: {  	_ =	shalt  }
0x51: {  	_ =	shalt  }
0x52: {  	_ =	shalt  }
0x53: {  	_ =	shalt  }
0x54: {  	_ =	shalt  }
0x55: {  	_ =	shalt  }
0x56: {  	_ =	shalt  }
0x57: {  	_ =	shalt  }
0x58: {  	_ =	shalt  }
0x59: {  	_ =	shalt  }
0x5a: {  	_ =	shalt  }
0x5b: {  	_ =	shalt  }
0x5c: {  	_ =	shalt  }
0x5d: {  	_ =	shalt  }
0x5e: {  	_ =	shalt  }
0x5f: {  	_ =	shalt  }
0x60: {  	_ =	shalt  }
0x61: {  	_ =	shalt  }
0x62: {  	_ =	shalt  }
0x63: {  	_ =	shalt  }
0x64: {  	_ =	shalt  }
0x65: {  	_ =	shalt  }
0x66: {  	_ =	shalt  }
0x67: {  	_ =	shalt  }
0x68: {  	_ =	shalt  }
0x69: {  	_ =	shalt  }
0x6a: {  	_ =	shalt  }
0x6b: {  	_ =	shalt  }
0x6c: {  	_ =	shalt  }
0x6d: {  	_ =	shalt  }
0x6e: {  	_ =	shalt  }
0x6f: {  	_ =	shalt  }
0x70: {  	_ =	shalt  }
0x71: {  	_ =	shalt  }
0x72: {  	_ =	shalt  }
0x73: {  	_ =	shalt  }
0x74: {  	_ =	shalt  }
0x75: {  	_ =	shalt  }
0x76: {  	_ =	shalt  }
0x77: {  	_ =	shalt  }
0x78: {  	_ =	shalt  }
0x79: {  	_ =	shalt  }
0x7a: {  	_ =	shalt  }
0x7b: {  	_ =	shalt  }
0x7c: {  	_ =	shalt  }
0x7d: {  	_ =	shalt  }
0x7e: {  	_ =	shalt  }
0x7f: {  	_ =	shalt  }
0x80: {  	_ =	shalt  }
0x81: {  	_ =	shalt  }
0x82: {  	_ =	shalt  }
0x83: {  	_ =	shalt  }
0x84: {  	_ =	shalt  }
0x85: {  	_ =	shalt  }
0x86: {  	_ =	shalt  }
0x87: {  	_ =	shalt  }
.Lfunc_end0:
.L_simem_size_0:
called_computation_lowered:
.L_overlay_start_0:
0x88: {  	s2 =	sld [smem:$0x3FD9]  }
0x89: {  	s3 =	sld [smem:$0x3FFE];
	_ =	sdelay $0x1  }
0x8a: {  	s1 =	srdreg.scid  }
0x8b: {  	s0 =	sand.u32 $0x1, s1  }
0x8c: {  	s17 =	sshll.u32 s0, $0xA;
	s2 =	sadd.s32 s3, s2  }
0x8d: {  	s2 =	sadd.s32 s2, s17  }
0x8e: {  	[smem:$0x3FC0] =	sst s2  }
0x8f: {  	_ = 	snop  }
0x90: {  	s2 =	sld [smem:$0x3FC9]  }
0x91: {  	s18 =	sld [smem:$0x3FD0];
	(tm) =	ssettm $0x1  }
0x92: {  	s4 =	sld [smem:$0x3FFB];
	_ =	sdelay $0x3  }
0x93: {  	_ =	strace s4  }
0x94: {  	s4 =	sld [smem:$0x3FFC];
	_ =	sdelay $0x3  }
0x95: {  	_ =	strace s4  }
0x96: {  	s4 =	sld [smem:$0x3FFD];
	_ =	sdelay $0x3  }
0x97: {  	_ =	strace s4  }
0x98: {  	_ =	strace $0x8FFFFFFF  }
0x99: {  	s19 =	sld [smem:$0x3FDB];
	_ =	sdelay $0x1  }
0x9a: {  	s5 =	simm.s32 $_scs_section_size  }
0x9b: {  	s6 =	simm.s32 $_size__tile_overlayer_lowered;
	s7 =	simm.s32 $_tile_overlayer_lowered  }
0x9c: {  	s22 =	simm.s32 $0x1BFF;
	s21 =	sshll.u32 s7, $0x1;
	s4 =	sadd.s32 s5, s19  }
0x9d: {  	s8 =	simm.s32 $0x0;
	s20 =	sshll.u32 s6, $0x1;
	s6 =	sadd.s32 s21, s4  }
0x9e: {  	[timem:s8], [sflag:s22] =	dma.local [hbm:s6], s20  }
0x9f: {  	_ =	swait.ge [sflag:s22], s20  }
0xa0: {  	s5 =	ssub.s32 $0x0, s20;
	[sflag:s22] =	ssyncset.done $0x0  }
0xa1: {  	[sflag:s22] =	ssyncadd.s32 s5;
	_ =	sdelay $0x1  }
0xa2: {  	s23 =	simm.s32 $0x1B8B  }
0xa3: {  	_ =	swait.ge [sflag:s23], $0x1  }
0xa4: {  	[sflag:s23] =	ssyncset.done $0x0  }
0xa5: {  	s25 =	simm.s32 $0x1B8E;
	s24 =	sld [smem:$0x3FFE];
	[sflag:s23] =	ssyncadd.s32 $0xFFFFFFFF  }
0xa6: {  	s26 =	simm.s32 $execute0_lowered;
	[smem:$0x3FD2] =	sst s25  }
0xa7: {  	s6 =	sshll.u32 s26, $0x1;
	_ =	strace $0x80000046;
	[dreg:$0x1] =	wrdreg $0xFFFFFFFF  }
0xa8: {  	s28 =	simm.s32 $_size_execute0_lowered;
	s4 =	sadd.s32 s4, s6;
	[dreg:$0x0] =	wrdreg $0x0  }
0xa9: {  	s6 =	sshll.u32 s28, $0x1;
	[dreg:$0x2] =	wrdreg s4  }
0xaa: {  	[dreg:$0x3] =	wrdreg s6  }
0xab: {  	[dreg:$0x4] =	wrdreg $0xC0  }
0xac: {  	_ =	task [dreg:s8], $0x5FFFF  }
0xad: {  	[dreg:$0x1] =	wrdreg $0xFFFFFFFF  }
0xae: {  	[dreg:$0x0] =	wrdreg $0x60  }
0xaf: {  	[dreg:$0x2] =	wrdreg s24  }
0xb0: {  	[dreg:$0x3] =	wrdreg s2  }
0xb1: {  	[dreg:$0x4] =	wrdreg s18  }
0xb2: {  	[dreg:$0x5] =	wrdreg $0x51000  }
0xb3: {  	[dreg:$0x6] =	wrdreg $0x9  }
0xb4: {  	_ =	task.clear_ibuf [dreg:s8], $0x7FFFF;
	_ =	strace $0x90000046  }
0xb5: {  	s29 =	simm.s32 $0x9;
	_ =	strace $0x80000048  }
0xb6: {  	_ =	swait.ge [sflag:s29], $0x1  }
0xb7: {  	[sflag:s29] =	ssyncadd.s32 $0xFFFFFFFF  }
0xb8: {  	_ =	strace $0x90000048  }
0xb9: {  	_ =	sfence  }
0xba: {  	s30 =	sld [smem:$0x0];
	_ =	sdelay $0x2  }
0xbb: {  	s31 =	sshll.u32 s1, $0xD;
	s1 =	sshrl.u32 s1, $0x2  }
0xbc: {  	s3 =	sand.u32 $0x4000, s31;
	s1 =	sadd.s32 s1, s30  }
0xbd: {  	s0 =	sor.u32 s3, s0;
	s1 =	sshll.u32 s1, $0x11  }
0xbe: {  	s0 =	sor.u32 s1, s0  }
0xbf: {  	s0 =	sadd.s32 $0x8F2B, s0  }
0xc0: {  	[sflag:s0] =	ssyncadd.remote.s32 $0x1  }
0xc1: {  	_ =	sfence.sel $0xFFFF  }
0xc2: {  	[dreg:$0x0] =	wrdreg $0xFFFFFFFF;
	(pc) =	sbr.abs _section_cstart, $3  }
0xc3: {  	[dreg:$0x1] =	wrdreg $0xFFFFFFFF  }
0xc4: {  	_ =	task.clear_ibuf [dreg:s8], $0x2FFFF;
	_ =	strace $0x9FFFFFFF  }
0xc5: {  	(tm) =	ssettm $0x7FFFFFFF  }
tec
execute0_lowered:
.L_overlay_start_1:
0x0: {  	(tag) =	ssettag $0x1  }
0x1: {  	s0 =	srdreg.scid  }
0x2: {  	s20 =	stileid.u32;
	s3 =	rddreg [dreg:$0x0]  }
0x3: {  	s5 =	rddreg [dreg:$0x2];
	s4 =	smul.u32 $0x2710, s20  }
0x4: {  	s1 =	simm.s32 $0x0;
	s0 =	sand.u32 $0x1, s0;
	s7 =	smul.u32 $0x14000, s20  }
0x5: {  	[smem:$0x7FF] =	sst s1;
	s2 =	smul.u32 $0x27100, s0;
	s19 =	ssub.s32 $0x2, s0  }
0x6: {  	s8 =	sadd.s32 $0x16600, s3;
	s0 =	smul.u32 $0x140000, s0;
	s6 =	sshrl.u32 s19, $0x1  }
0x7: {  	s9 =	sadd.s32 $0x5000, s7;
	s10 =	sadd.s32 $0x7800, s7;
	s11 =	sadd.s32 $0xA000, s7  }
0x8: {  	s13 =	sadd.s32 $0xC800, s7;
	s30 =	sadd.s32 $0xF000, s7;
	s2 =	sadd.s32 s4, s2  }
0x9: {  	s4 =	ssub.s32 s19, s6;
	s6 =	sor.u32 $0x2800, s7;
	s12 =	sadd.s32 s7, s0  }
0xa: {  	s7 =	sadd.s32 $0x11800, s7;
	s16 =	sadd.s32 s0, s10;
	s12 =	sshrl.u32 s12, $0x3  }
0xb: {  	s19 =	sadd.s32 s0, s30;
	s16 =	sshrl.u32 s16, $0x3;
	s15 =	sadd.s32 s5, s12  }
0xc: {  	s19 =	sshrl.u32 s19, $0x3;
	s23 =	sadd.s32 s5, s16;
	[dreg:$0x5] =	wrdreg s15  }
0xd: {  	s14 =	sadd.s32 s0, s6;
	s26 =	sadd.s32 s5, s19;
	[dreg:$0x8] =	wrdreg s23  }
0xe: {  	s14 =	sshrl.u32 s14, $0x3;
	s12 =	sadd.s32 s8, s12;
	[dreg:$0xb] =	wrdreg s26  }
0xf: {  	s22 =	sadd.s32 s0, s9;
	s21 =	sadd.s32 s5, s14;
	[dreg:$0xd] =	wrdreg s12  }
0x10: {  	s17 =	sadd.s32 s0, s11;
	s23 =	sadd.s32 s8, s16;
	[dreg:$0x6] =	wrdreg s21  }
0x11: {  	s17 =	sshrl.u32 s17, $0x3;
	s15 =	sshrl.u32 s22, $0x3;
	[dreg:$0x10] =	wrdreg s23  }
0x12: {  	s18 =	sadd.s32 s5, s15;
	s22 =	sadd.s32 s8, s15;
	s15 =	rddreg [dreg:$0x1]  }
0x13: {  	s24 =	sadd.s32 s0, s13;
	s21 =	sadd.s32 s5, s17;
	[dreg:$0x7] =	wrdreg s18  }
0x14: {  	s2 =	sshrl.u32 s2, $0x3;
	s0 =	sadd.s32 s0, s7;
	[dreg:$0x9] =	wrdreg s21  }
0x15: {  	s0 =	sshrl.u32 s0, $0x3;
	s21 =	sadd.s32 s8, s14;
	[dreg:$0xf] =	wrdreg s22  }
0x16: {  	s18 =	sshrl.u32 s24, $0x3;
	s24 =	sadd.s32 s8, s17;
	[dreg:$0xe] =	wrdreg s21  }
0x17: {  	s19 =	sadd.s32 s8, s19;
	s2 =	sadd.s32 s2, s3;
	[dreg:$0x11] =	wrdreg s24  }
0x18: {  	s25 =	sadd.s32 s5, s18;
	s17 =	sadd.s32 s8, s18;
	s18 =	rddreg [dreg:$0x3]  }
0x19: {  	s22 =	sadd.s32 $0x15A00, s3;
	s5 =	sadd.s32 s5, s0;
	[dreg:$0xa] =	wrdreg s25  }
0x1a: {  	s21 =	sadd.s32 $0x16000, s3;
	s3 =	simm.s32 $0x100;
	[dreg:$0xc] =	wrdreg s5  }
0x1b: {  	s25 =	smul.u32 $0x50000, s20;
	s20 =	sadd.s32 s8, s0;
	s24 =	sadd.s32 s6, s18  }
0x1c: {  	s28 =	sadd.s32 s11, s18;
	s29 =	sadd.s32 s13, s18;
	s30 =	sadd.s32 s30, s18  }
0x1d: {  	s31 =	sadd.s32 s7, s18;
	s13 =	smax.u32 s4, $0x1;
	s0 =	sadd.s32 $0x1E00, s2  }
0x1e: {  	s2 =	sadd.s32 $0xBC00, s2;
	s4 =	simm.s32 $0x2;
	s5 =	simm.s32 $0x2900  }
0x1f: {  	s6 =	simm.s32 $0x80;
	s7 =	simm.s32 $0x50;
	s8 =	simm.s32 $0x1  }
0x20: {  	_ =	strace $0x80000047;
	s26 =	sshrl.u32 s25, $0x2;
	s25 =	sadd.s32 s9, s18  }
0x21: {  	s9 =	simm.s32 $0x0;
	s23 =	sadd.s32 s26, s18;
	s26 =	sadd.s32 s10, s18  }
.LBB2_1:
0x22: {  	[tilespmem:s3], [sflag:$0x2] =	stream.linear.gather [hbm4b:s21+s1], $0x2800, $0x38;
	[tilespmem:$0x19100] =	vst v63  }
0x23: {  	_ =	swait.ge [sflag:s4], $0x2800  }
0x24: {  	[sflag:s4] =	ssyncset.done $0x0  }
0x25: {  	[sflag:s4] =	ssyncadd.s32 $0xFFFFD800  }
0x26: {  	[spmem:s23] =	stream.linear.scatter [tilespmem:s3], [sflag:$0x2], $0x2800, $0x38;
	[tilespmem:$0x19100] =	vst v63  }
0x27: {  	_ =	swait.ge [sflag:s4], $0x2800  }
0x28: {  	[sflag:s4] =	ssyncset.done $0x0  }
0x29: {  	[sflag:s4] =	ssyncadd.s32 $0xFFFFD800  }
0x2a: {  	[spmem:s24] =	stream.linear.scatter [tilespmem:s3], [sflag:$0x2], $0x2800, $0x38;
	[tilespmem:$0x19100] =	vst v63  }
0x2b: {  	_ =	swait.ge [sflag:s4], $0x2800  }
0x2c: {  	[sflag:s4] =	ssyncset.done $0x0  }
0x2d: {  	[sflag:s4] =	ssyncadd.s32 $0xFFFFD800  }
0x2e: {  	[spmem:s25] =	stream.linear.scatter [tilespmem:s3], [sflag:$0x2], $0x2800, $0x38;
	[tilespmem:$0x19100] =	vst v63  }
0x2f: {  	_ =	swait.ge [sflag:s4], $0x2800  }
0x30: {  	[sflag:s4] =	ssyncset.done $0x0  }
0x31: {  	[sflag:s4] =	ssyncadd.s32 $0xFFFFD800  }
0x32: {  	[spmem:s26] =	stream.linear.scatter [tilespmem:s3], [sflag:$0x2], $0x2800, $0x38;
	[tilespmem:$0x19100] =	vst v63  }
0x33: {  	_ =	swait.ge [sflag:s4], $0x2800  }
0x34: {  	[sflag:s4] =	ssyncset.done $0x0  }
0x35: {  	[sflag:s4] =	ssyncadd.s32 $0xFFFFD800  }
0x36: {  	[spmem:s28] =	stream.linear.scatter [tilespmem:s3], [sflag:$0x2], $0x2800, $0x38;
	[tilespmem:$0x19100] =	vst v63  }
0x37: {  	_ =	swait.ge [sflag:s4], $0x2800  }
0x38: {  	[sflag:s4] =	ssyncset.done $0x0  }
0x39: {  	[sflag:s4] =	ssyncadd.s32 $0xFFFFD800  }
0x3a: {  	[spmem:s29] =	stream.linear.scatter [tilespmem:s3], [sflag:$0x2], $0x2800, $0x38;
	[tilespmem:$0x19100] =	vst v63  }
0x3b: {  	_ =	swait.ge [sflag:s4], $0x2800  }
0x3c: {  	[sflag:s4] =	ssyncset.done $0x0  }
0x3d: {  	[sflag:s4] =	ssyncadd.s32 $0xFFFFD800  }
0x3e: {  	[spmem:s30] =	stream.linear.scatter [tilespmem:s3], [sflag:$0x2], $0x2800, $0x38;
	[tilespmem:$0x19100] =	vst v63  }
0x3f: {  	_ =	swait.ge [sflag:s4], $0x2800  }
0x40: {  	[sflag:s4] =	ssyncset.done $0x0  }
0x41: {  	[sflag:s4] =	ssyncadd.s32 $0xFFFFD800  }
0x42: {  	[spmem:s31] =	stream.linear.scatter [tilespmem:s3], [sflag:$0x2], $0x2800, $0x38;
	[tilespmem:$0x19100] =	vst v63  }
0x43: {  	_ =	swait.ge [sflag:s4], $0x2800  }
0x44: {  	[sflag:s4] =	ssyncset.done $0x0  }
0x45: {  	[sflag:s4] =	ssyncadd.s32 $0xFFFFD800  }
0x46: {  	[tilespmem:s5], [sflag:$0x2] =	stream.linear.gather [hbm4b:s22+s1], $0x2800, $0x38;
	[tilespmem:$0x19100] =	vst v63  }
0x47: {  	_ =	swait.ge [sflag:s4], $0x2800  }
0x48: {  	[sflag:s4] =	ssyncset.done $0x0  }
0x49: {  	[sflag:s4] =	ssyncadd.s32 $0xFFFFD800  }
0x4a: {  	s10 =	sadd.s32 $0x0, s2;
	[bflag:$0x0] =	sbarrier.arrive $0xFFFF  }
0x4b: {  	[tilespmem:s1], [sflag:$0x2] =	stream.linear.gather [hbm4b:s10+s1], $0x50, $0x38;
	[tilespmem:$0x19100] =	vst v63  }
0x4c: {  	_ =	swait.ge [sflag:s4], $0x50  }
0x4d: {  	[sflag:s4] =	ssyncset.done $0x0  }
0x4e: {  	s16 =	sadd.s32 $0x0, s0;
	[sflag:s4] =	ssyncadd.s32 $0xFFFFFFB0  }
0x4f: {  	[tilespmem:s6], [sflag:$0x2] =	stream.linear.gather [hbm4b:s16+s1], $0x50, $0x38;
	[tilespmem:$0x19100] =	vst v63  }
0x50: {  	_ =	swait.ge [sflag:s4], $0x50  }
0x51: {  	[sflag:s4] =	ssyncset.done $0x0  }
0x52: {  	[sflag:s4] =	ssyncadd.s32 $0xFFFFFFB0  }
0x53: {  	[tilespmem:s3], [sflag:$0x1] =	stream.indirect.gather [hbm4b:s15+s7], $0x80, s1, s7, $0xb8;
	[tilespmem:$0x19100] =	vst v63  }
0x54: {  	_ =	swait.ge [sflag:s8], $0x2800  }
0x55: {  	[sflag:s8] =	ssyncset.done $0x0  }
0x56: {  	[sflag:s8] =	ssyncadd.s32 $0xFFFFD800  }
0x57: {  	[spmem:s18] =	stream.indirect.scatter.add.f32 [tilespmem:s3], [sflag:$0x2], $0x80, s6, s7, $0xb8;
	[tilespmem:$0x19100] =	vst v63  }
0x58: {  	_ =	swait.ge [sflag:s4], $0x2800  }
0x59: {  	s11 =	simm.s32 $0x14;
	s10 =	simm.s32 $0xA;
	[sflag:s4] =	ssyncset.done $0x0  }
.LBB2_2:
0x5a: {  	s12 =	sadd.s32 s10, s2  }
0x5b: {  	[sflag:s4] =	ssyncadd.s32 $0xFFFFD800;
	s14 =	smov.u32 s11;
	s16 =	sadd.s32 $0xA, s11  }
0x5c: {  	[tilespmem:s1], [sflag:$0x2] =	stream.linear.gather [hbm4b:s12+s1], $0x50, $0x38;
	[tilespmem:$0x19100] =	vst v63  }
0x5d: {  	p0 =	sne.s32 s11, $0x4D8;
	_ =	swait.ge [sflag:s4], $0x50  }
0x5e: {  	[sflag:s4] =	ssyncset.done $0x0  }
0x5f: {  	s11 =	sadd.s32 s10, s0;
	s10 =	smov.u32 s14;
	[sflag:s4] =	ssyncadd.s32 $0xFFFFFFB0  }
0x60: {  	[tilespmem:s6], [sflag:$0x2] =	stream.linear.gather [hbm4b:s11+s1], $0x50, $0x38;
	[tilespmem:$0x19100] =	vst v63  }
0x61: {  	_ =	swait.ge [sflag:s4], $0x50  }
0x62: {  	[sflag:s4] =	ssyncset.done $0x0  }
0x63: {  	[sflag:s4] =	ssyncadd.s32 $0xFFFFFFB0  }
0x64: {  	[tilespmem:s3], [sflag:$0x1] =	stream.indirect.gather [hbm4b:s15+s7], $0x80, s1, s7, $0xb8;
	[tilespmem:$0x19100] =	vst v63  }
0x65: {  	_ =	swait.ge [sflag:s8], $0x2800  }
.Ltmp0:
0x66: {  	[sflag:s8] =	ssyncset.done $0x0;
	(pc) =	sbr.rel @p0 .LBB2_2-.Ltmp0, $4  }
0x67: {  	[sflag:s8] =	ssyncadd.s32 $0xFFFFD800  }
0x68: {  	[spmem:s18] =	stream.indirect.scatter.add.f32 [tilespmem:s3], [sflag:$0x2], $0x80, s6, s7, $0xb8;
	[tilespmem:$0x19100] =	vst v63  }
0x69: {  	_ =	swait.ge [sflag:s4], $0x2800  }
0x6a: {  	s11 =	smov.u32 s16;
	[sflag:s4] =	ssyncset.done $0x0  }
0x6b: {  	s11 =	sadd.s32 s10, s2;
	[sflag:s4] =	ssyncadd.s32 $0xFFFFD800  }
0x6c: {  	[tilespmem:s1], [sflag:$0x2] =	stream.linear.gather [hbm4b:s11+s1], $0x50, $0x38;
	[tilespmem:$0x19100] =	vst v63  }
0x6d: {  	_ =	swait.ge [sflag:s4], $0x50  }
0x6e: {  	[sflag:s4] =	ssyncset.done $0x0  }
0x6f: {  	s11 =	sadd.s32 s10, s0;
	[sflag:s4] =	ssyncadd.s32 $0xFFFFFFB0  }
0x70: {  	[tilespmem:s6], [sflag:$0x2] =	stream.linear.gather [hbm4b:s11+s1], $0x50, $0x38;
	[tilespmem:$0x19100] =	vst v63  }
0x71: {  	_ =	swait.ge [sflag:s4], $0x50  }
0x72: {  	[sflag:s4] =	ssyncset.done $0x0  }
0x73: {  	[sflag:s4] =	ssyncadd.s32 $0xFFFFFFB0  }
0x74: {  	[tilespmem:s3], [sflag:$0x1] =	stream.indirect.gather [hbm4b:s15+s7], $0x80, s1, s7, $0xb8;
	[tilespmem:$0x19100] =	vst v63  }
0x75: {  	_ =	swait.ge [sflag:s8], $0x2800  }
0x76: {  	[sflag:s8] =	ssyncset.done $0x0  }
0x77: {  	[sflag:s8] =	ssyncadd.s32 $0xFFFFD800  }
0x78: {  	[spmem:s18] =	stream.indirect.scatter.add.f32 [tilespmem:s3], [sflag:$0x2], $0x80, s6, s7, $0xb8;
	[tilespmem:$0x19100] =	vst v63  }
0x79: {  	_ =	swait.ge [sflag:s4], $0x2800  }
0x7a: {  	[sflag:s4] =	ssyncset.done $0x0  }
0x7b: {  	[sflag:s4] =	ssyncadd.s32 $0xFFFFD800  }
0x7c: {  	[bflag:$0x0] =	sbarrier.arrive $0xFFFF  }
0x7d: {  	[tilespmem:s3], [sflag:$0x2] =	stream.linear.gather [spmem:s23], $0x2800, $0x38;
	[tilespmem:$0x19100] =	vst v63  }
0x7e: {  	_ =	swait.ge [sflag:s4], $0x2800  }
0x7f: {  	[sflag:s4] =	ssyncset.done $0x0  }
0x80: {  	s10 =	simm.s32 $0x0;
	s12 =	rddreg [dreg:$0x5];
	[sflag:s4] =	ssyncadd.s32 $0xFFFFD800  }
0x81: {  	[hbm4b:s12+s10] =	stream.linear.scatter [tilespmem:s3], [sflag:$0x2], $0x2800, $0x38;
	[tilespmem:$0x19100] =	vst v63  }
0x82: {  	_ =	swait.ge [sflag:s4], $0x2800  }
0x83: {  	[sflag:s4] =	ssyncset.done $0x0  }
0x84: {  	[sflag:s4] =	ssyncadd.s32 $0xFFFFD800  }
0x85: {  	[tilespmem:s3], [sflag:$0x2] =	stream.linear.gather [spmem:s24], $0x2800, $0x38;
	[tilespmem:$0x19100] =	vst v63  }
0x86: {  	_ =	swait.ge [sflag:s4], $0x2800  }
0x87: {  	[sflag:s4] =	ssyncset.done $0x0  }
0x88: {  	s14 =	rddreg [dreg:$0x6];
	[sflag:s4] =	ssyncadd.s32 $0xFFFFD800  }
0x89: {  	[hbm4b:s14+s10] =	stream.linear.scatter [tilespmem:s3], [sflag:$0x2], $0x2800, $0x38;
	[tilespmem:$0x19100] =	vst v63  }
0x8a: {  	_ =	swait.ge [sflag:s4], $0x2800  }
0x8b: {  	[sflag:s4] =	ssyncset.done $0x0  }
0x8c: {  	[sflag:s4] =	ssyncadd.s32 $0xFFFFD800  }
0x8d: {  	[tilespmem:s3], [sflag:$0x2] =	stream.linear.gather [spmem:s25], $0x2800, $0x38;
	[tilespmem:$0x19100] =	vst v63  }
0x8e: {  	_ =	swait.ge [sflag:s4], $0x2800  }
0x8f: {  	[sflag:s4] =	ssyncset.done $0x0  }
0x90: {  	s16 =	rddreg [dreg:$0x7];
	[sflag:s4] =	ssyncadd.s32 $0xFFFFD800  }
0x91: {  	[hbm4b:s16+s10] =	stream.linear.scatter [tilespmem:s3], [sflag:$0x2], $0x2800, $0x38;
	[tilespmem:$0x19100] =	vst v63  }
0x92: {  	_ =	swait.ge [sflag:s4], $0x2800  }
0x93: {  	[sflag:s4] =	ssyncset.done $0x0  }
0x94: {  	[sflag:s4] =	ssyncadd.s32 $0xFFFFD800  }
0x95: {  	[tilespmem:s3], [sflag:$0x2] =	stream.linear.gather [spmem:s26], $0x2800, $0x38;
	[tilespmem:$0x19100] =	vst v63  }
0x96: {  	_ =	swait.ge [sflag:s4], $0x2800  }
0x97: {  	[sflag:s4] =	ssyncset.done $0x0  }
0x98: {  	s12 =	rddreg [dreg:$0x8];
	[sflag:s4] =	ssyncadd.s32 $0xFFFFD800  }
0x99: {  	[hbm4b:s12+s10] =	stream.linear.scatter [tilespmem:s3], [sflag:$0x2], $0x2800, $0x38;
	[tilespmem:$0x19100] =	vst v63  }
0x9a: {  	_ =	swait.ge [sflag:s4], $0x2800  }
0x9b: {  	[sflag:s4] =	ssyncset.done $0x0  }
0x9c: {  	[sflag:s4] =	ssyncadd.s32 $0xFFFFD800  }
0x9d: {  	[tilespmem:s3], [sflag:$0x2] =	stream.linear.gather [spmem:s28], $0x2800, $0x38;
	[tilespmem:$0x19100] =	vst v63  }
0x9e: {  	_ =	swait.ge [sflag:s4], $0x2800  }
0x9f: {  	[sflag:s4] =	ssyncset.done $0x0  }
0xa0: {  	s14 =	rddreg [dreg:$0x9];
	[sflag:s4] =	ssyncadd.s32 $0xFFFFD800  }
0xa1: {  	[hbm4b:s14+s10] =	stream.linear.scatter [tilespmem:s3], [sflag:$0x2], $0x2800, $0x38;
	[tilespmem:$0x19100] =	vst v63  }
0xa2: {  	_ =	swait.ge [sflag:s4], $0x2800  }
0xa3: {  	[sflag:s4] =	ssyncset.done $0x0  }
0xa4: {  	[sflag:s4] =	ssyncadd.s32 $0xFFFFD800  }
0xa5: {  	[tilespmem:s3], [sflag:$0x2] =	stream.linear.gather [spmem:s29], $0x2800, $0x38;
	[tilespmem:$0x19100] =	vst v63  }
0xa6: {  	_ =	swait.ge [sflag:s4], $0x2800  }
0xa7: {  	[sflag:s4] =	ssyncset.done $0x0  }
0xa8: {  	s16 =	rddreg [dreg:$0xa];
	[sflag:s4] =	ssyncadd.s32 $0xFFFFD800  }
0xa9: {  	[hbm4b:s16+s10] =	stream.linear.scatter [tilespmem:s3], [sflag:$0x2], $0x2800, $0x38;
	[tilespmem:$0x19100] =	vst v63  }
0xaa: {  	_ =	swait.ge [sflag:s4], $0x2800  }
0xab: {  	[sflag:s4] =	ssyncset.done $0x0  }
0xac: {  	[sflag:s4] =	ssyncadd.s32 $0xFFFFD800  }
0xad: {  	[tilespmem:s3], [sflag:$0x2] =	stream.linear.gather [spmem:s30], $0x2800, $0x38;
	[tilespmem:$0x19100] =	vst v63  }
0xae: {  	_ =	swait.ge [sflag:s4], $0x2800  }
0xaf: {  	[sflag:s4] =	ssyncset.done $0x0  }
0xb0: {  	s12 =	rddreg [dreg:$0xb];
	[sflag:s4] =	ssyncadd.s32 $0xFFFFD800  }
0xb1: {  	[hbm4b:s12+s10] =	stream.linear.scatter [tilespmem:s3], [sflag:$0x2], $0x2800, $0x38;
	[tilespmem:$0x19100] =	vst v63  }
0xb2: {  	_ =	swait.ge [sflag:s4], $0x2800  }
0xb3: {  	[sflag:s4] =	ssyncset.done $0x0  }
0xb4: {  	[sflag:s4] =	ssyncadd.s32 $0xFFFFD800  }
0xb5: {  	[tilespmem:s3], [sflag:$0x2] =	stream.linear.gather [spmem:s31], $0x2800, $0x38;
	[tilespmem:$0x19100] =	vst v63  }
0xb6: {  	_ =	swait.ge [sflag:s4], $0x2800  }
0xb7: {  	[sflag:s4] =	ssyncset.done $0x0  }
0xb8: {  	s14 =	rddreg [dreg:$0xc];
	[sflag:s4] =	ssyncadd.s32 $0xFFFFD800  }
0xb9: {  	[hbm4b:s14+s10] =	stream.linear.scatter [tilespmem:s3], [sflag:$0x2], $0x2800, $0x38;
	[tilespmem:$0x19100] =	vst v63  }
0xba: {  	_ =	swait.ge [sflag:s4], $0x2800  }
0xbb: {  	[sflag:s4] =	ssyncset.done $0x0  }
0xbc: {  	[sflag:s4] =	ssyncadd.s32 $0xFFFFD800  }
0xbd: {  	[tilespmem:s3], [sflag:$0x2] =	stream.linear.gather [hbm4b:s21+s10], $0x2800, $0x38;
	[tilespmem:$0x19100] =	vst v63  }
0xbe: {  	_ =	swait.ge [sflag:s4], $0x2800  }
0xbf: {  	[sflag:s4] =	ssyncset.done $0x0  }
0xc0: {  	[sflag:s4] =	ssyncadd.s32 $0xFFFFD800  }
0xc1: {  	[spmem:s23] =	stream.linear.scatter [tilespmem:s3], [sflag:$0x2], $0x2800, $0x38;
	[tilespmem:$0x19100] =	vst v63  }
0xc2: {  	_ =	swait.ge [sflag:s4], $0x2800  }
0xc3: {  	[sflag:s4] =	ssyncset.done $0x0  }
0xc4: {  	[sflag:s4] =	ssyncadd.s32 $0xFFFFD800  }
0xc5: {  	[spmem:s24] =	stream.linear.scatter [tilespmem:s3], [sflag:$0x2], $0x2800, $0x38;
	[tilespmem:$0x19100] =	vst v63  }
0xc6: {  	_ =	swait.ge [sflag:s4], $0x2800  }
0xc7: {  	[sflag:s4] =	ssyncset.done $0x0  }
0xc8: {  	[sflag:s4] =	ssyncadd.s32 $0xFFFFD800  }
0xc9: {  	[spmem:s25] =	stream.linear.scatter [tilespmem:s3], [sflag:$0x2], $0x2800, $0x38;
	[tilespmem:$0x19100] =	vst v63  }
0xca: {  	_ =	swait.ge [sflag:s4], $0x2800  }
0xcb: {  	[sflag:s4] =	ssyncset.done $0x0  }
0xcc: {  	[sflag:s4] =	ssyncadd.s32 $0xFFFFD800  }
0xcd: {  	[spmem:s26] =	stream.linear.scatter [tilespmem:s3], [sflag:$0x2], $0x2800, $0x38;
	[tilespmem:$0x19100] =	vst v63  }
0xce: {  	_ =	swait.ge [sflag:s4], $0x2800  }
0xcf: {  	[sflag:s4] =	ssyncset.done $0x0  }
0xd0: {  	[sflag:s4] =	ssyncadd.s32 $0xFFFFD800  }
0xd1: {  	[spmem:s28] =	stream.linear.scatter [tilespmem:s3], [sflag:$0x2], $0x2800, $0x38;
	[tilespmem:$0x19100] =	vst v63  }
0xd2: {  	_ =	swait.ge [sflag:s4], $0x2800  }
0xd3: {  	[sflag:s4] =	ssyncset.done $0x0  }
0xd4: {  	[sflag:s4] =	ssyncadd.s32 $0xFFFFD800  }
0xd5: {  	[spmem:s29] =	stream.linear.scatter [tilespmem:s3], [sflag:$0x2], $0x2800, $0x38;
	[tilespmem:$0x19100] =	vst v63  }
0xd6: {  	_ =	swait.ge [sflag:s4], $0x2800  }
0xd7: {  	[sflag:s4] =	ssyncset.done $0x0  }
0xd8: {  	[sflag:s4] =	ssyncadd.s32 $0xFFFFD800  }
0xd9: {  	[spmem:s30] =	stream.linear.scatter [tilespmem:s3], [sflag:$0x2], $0x2800, $0x38;
	[tilespmem:$0x19100] =	vst v63  }
0xda: {  	_ =	swait.ge [sflag:s4], $0x2800  }
0xdb: {  	[sflag:s4] =	ssyncset.done $0x0  }
0xdc: {  	[sflag:s4] =	ssyncadd.s32 $0xFFFFD800  }
0xdd: {  	[spmem:s31] =	stream.linear.scatter [tilespmem:s3], [sflag:$0x2], $0x2800, $0x38;
	[tilespmem:$0x19100] =	vst v63  }
0xde: {  	_ =	swait.ge [sflag:s4], $0x2800  }
0xdf: {  	[sflag:s4] =	ssyncset.done $0x0  }
0xe0: {  	[sflag:s4] =	ssyncadd.s32 $0xFFFFD800  }
0xe1: {  	s16 =	sadd.s32 $0x0, s0;
	[bflag:$0x0] =	sbarrier.arrive $0xFFFF  }
0xe2: {  	[tilespmem:s6], [sflag:$0x2] =	stream.linear.gather [hbm4b:s16+s1], $0x50, $0x38;
	[tilespmem:$0x19100] =	vst v63  }
0xe3: {  	_ =	swait.ge [sflag:s4], $0x50  }
0xe4: {  	[sflag:s4] =	ssyncset.done $0x0  }
0xe5: {  	[sflag:s4] =	ssyncadd.s32 $0xFFFFFFB0  }
0xe6: {  	[spmem:s18] =	stream.indirect.scatter.add.f32 [tilespmem:s5], [sflag:$0x2], $0x80, s6, s7, $0xb8;
	[tilespmem:$0x19100] =	vst v63  }
0xe7: {  	_ =	swait.ge [sflag:s4], $0x2800  }
0xe8: {  	s11 =	simm.s32 $0x14;
	s10 =	simm.s32 $0xA;
	[sflag:s4] =	ssyncset.done $0x0  }
.LBB2_4:
0xe9: {  	s12 =	sadd.s32 s10, s0  }
0xea: {  	[sflag:s4] =	ssyncadd.s32 $0xFFFFD800;
	s10 =	smov.u32 s11;
	s14 =	sadd.s32 $0xA, s11  }
0xeb: {  	[tilespmem:s6], [sflag:$0x2] =	stream.linear.gather [hbm4b:s12+s1], $0x50, $0x38;
	[tilespmem:$0x19100] =	vst v63  }
0xec: {  	p0 =	sne.s32 s11, $0x4D8;
	_ =	swait.ge [sflag:s4], $0x50  }
.Ltmp1:
0xed: {  	[sflag:s4] =	ssyncset.done $0x0;
	(pc) =	sbr.rel @p0 .LBB2_4-.Ltmp1, $4  }
0xee: {  	[sflag:s4] =	ssyncadd.s32 $0xFFFFFFB0  }
0xef: {  	[spmem:s18] =	stream.indirect.scatter.add.f32 [tilespmem:s5], [sflag:$0x2], $0x80, s6, s7, $0xb8;
	[tilespmem:$0x19100] =	vst v63  }
0xf0: {  	_ =	swait.ge [sflag:s4], $0x2800  }
0xf1: {  	s11 =	smov.u32 s14;
	[sflag:s4] =	ssyncset.done $0x0  }
0xf2: {  	s10 =	sadd.s32 s10, s0;
	[sflag:s4] =	ssyncadd.s32 $0xFFFFD800  }
0xf3: {  	[tilespmem:s6], [sflag:$0x2] =	stream.linear.gather [hbm4b:s10+s1], $0x50, $0x38;
	[tilespmem:$0x19100] =	vst v63  }
0xf4: {  	_ =	swait.ge [sflag:s4], $0x50  }
0xf5: {  	[sflag:s4] =	ssyncset.done $0x0  }
0xf6: {  	[sflag:s4] =	ssyncadd.s32 $0xFFFFFFB0  }
0xf7: {  	[spmem:s18] =	stream.indirect.scatter.add.f32 [tilespmem:s5], [sflag:$0x2], $0x80, s6, s7, $0xb8;
	[tilespmem:$0x19100] =	vst v63  }
0xf8: {  	_ =	swait.ge [sflag:s4], $0x2800  }
0xf9: {  	[sflag:s4] =	ssyncset.done $0x0  }
0xfa: {  	[sflag:s4] =	ssyncadd.s32 $0xFFFFD800  }
0xfb: {  	[bflag:$0x0] =	sbarrier.arrive $0xFFFF  }
0xfc: {  	[tilespmem:s3], [sflag:$0x2] =	stream.linear.gather [spmem:s23], $0x2800, $0x38;
	[tilespmem:$0x19100] =	vst v63  }
0xfd: {  	_ =	swait.ge [sflag:s4], $0x2800  }
0xfe: {  	[sflag:s4] =	ssyncset.done $0x0  }
0xff: {  	s16 =	rddreg [dreg:$0xd];
	[sflag:s4] =	ssyncadd.s32 $0xFFFFD800  }
0x100: {  	[hbm4b:s16+s1] =	stream.linear.scatter [tilespmem:s3], [sflag:$0x2], $0x2800, $0x38;
	[tilespmem:$0x19100] =	vst v63  }
0x101: {  	_ =	swait.ge [sflag:s4], $0x2800  }
0x102: {  	[sflag:s4] =	ssyncset.done $0x0  }
0x103: {  	[sflag:s4] =	ssyncadd.s32 $0xFFFFD800  }
0x104: {  	[tilespmem:s3], [sflag:$0x2] =	stream.linear.gather [spmem:s24], $0x2800, $0x38;
	[tilespmem:$0x19100] =	vst v63  }
0x105: {  	_ =	swait.ge [sflag:s4], $0x2800  }
0x106: {  	[sflag:s4] =	ssyncset.done $0x0  }
0x107: {  	s11 =	rddreg [dreg:$0xe];
	[sflag:s4] =	ssyncadd.s32 $0xFFFFD800  }
0x108: {  	[hbm4b:s11+s1] =	stream.linear.scatter [tilespmem:s3], [sflag:$0x2], $0x2800, $0x38;
	[tilespmem:$0x19100] =	vst v63  }
0x109: {  	_ =	swait.ge [sflag:s4], $0x2800  }
0x10a: {  	[sflag:s4] =	ssyncset.done $0x0  }
0x10b: {  	[sflag:s4] =	ssyncadd.s32 $0xFFFFD800  }
0x10c: {  	[tilespmem:s3], [sflag:$0x2] =	stream.linear.gather [spmem:s25], $0x2800, $0x38;
	[tilespmem:$0x19100] =	vst v63  }
0x10d: {  	_ =	swait.ge [sflag:s4], $0x2800  }
0x10e: {  	[sflag:s4] =	ssyncset.done $0x0  }
0x10f: {  	s12 =	rddreg [dreg:$0xf];
	[sflag:s4] =	ssyncadd.s32 $0xFFFFD800  }
0x110: {  	[hbm4b:s12+s1] =	stream.linear.scatter [tilespmem:s3], [sflag:$0x2], $0x2800, $0x38;
	[tilespmem:$0x19100] =	vst v63  }
0x111: {  	_ =	swait.ge [sflag:s4], $0x2800  }
0x112: {  	[sflag:s4] =	ssyncset.done $0x0  }
0x113: {  	[sflag:s4] =	ssyncadd.s32 $0xFFFFD800  }
0x114: {  	[tilespmem:s3], [sflag:$0x2] =	stream.linear.gather [spmem:s26], $0x2800, $0x38;
	[tilespmem:$0x19100] =	vst v63  }
0x115: {  	_ =	swait.ge [sflag:s4], $0x2800  }
0x116: {  	[sflag:s4] =	ssyncset.done $0x0  }
0x117: {  	s14 =	rddreg [dreg:$0x10];
	[sflag:s4] =	ssyncadd.s32 $0xFFFFD800  }
0x118: {  	[hbm4b:s14+s1] =	stream.linear.scatter [tilespmem:s3], [sflag:$0x2], $0x2800, $0x38;
	[tilespmem:$0x19100] =	vst v63  }
0x119: {  	_ =	swait.ge [sflag:s4], $0x2800  }
0x11a: {  	[sflag:s4] =	ssyncset.done $0x0  }
0x11b: {  	[sflag:s4] =	ssyncadd.s32 $0xFFFFD800  }
0x11c: {  	[tilespmem:s3], [sflag:$0x2] =	stream.linear.gather [spmem:s28], $0x2800, $0x38;
	[tilespmem:$0x19100] =	vst v63  }
0x11d: {  	_ =	swait.ge [sflag:s4], $0x2800  }
0x11e: {  	[sflag:s4] =	ssyncset.done $0x0  }
0x11f: {  	s16 =	rddreg [dreg:$0x11];
	[sflag:s4] =	ssyncadd.s32 $0xFFFFD800  }
0x120: {  	[hbm4b:s16+s1] =	stream.linear.scatter [tilespmem:s3], [sflag:$0x2], $0x2800, $0x38;
	[tilespmem:$0x19100] =	vst v63  }
0x121: {  	_ =	swait.ge [sflag:s4], $0x2800  }
0x122: {  	[sflag:s4] =	ssyncset.done $0x0  }
0x123: {  	[sflag:s4] =	ssyncadd.s32 $0xFFFFD800  }
0x124: {  	[tilespmem:s3], [sflag:$0x2] =	stream.linear.gather [spmem:s29], $0x2800, $0x38;
	[tilespmem:$0x19100] =	vst v63  }
0x125: {  	_ =	swait.ge [sflag:s4], $0x2800  }
0x126: {  	[sflag:s4] =	ssyncset.done $0x0  }
0x127: {  	[sflag:s4] =	ssyncadd.s32 $0xFFFFD800  }
0x128: {  	[hbm4b:s17+s1] =	stream.linear.scatter [tilespmem:s3], [sflag:$0x2], $0x2800, $0x38;
	[tilespmem:$0x19100] =	vst v63  }
0x129: {  	_ =	swait.ge [sflag:s4], $0x2800  }
0x12a: {  	[sflag:s4] =	ssyncset.done $0x0  }
0x12b: {  	[sflag:s4] =	ssyncadd.s32 $0xFFFFD800  }
0x12c: {  	[tilespmem:s3], [sflag:$0x2] =	stream.linear.gather [spmem:s30], $0x2800, $0x38;
	[tilespmem:$0x19100] =	vst v63  }
0x12d: {  	_ =	swait.ge [sflag:s4], $0x2800  }
0x12e: {  	[sflag:s4] =	ssyncset.done $0x0  }
0x12f: {  	[sflag:s4] =	ssyncadd.s32 $0xFFFFD800  }
0x130: {  	[hbm4b:s19+s1] =	stream.linear.scatter [tilespmem:s3], [sflag:$0x2], $0x2800, $0x38;
	[tilespmem:$0x19100] =	vst v63  }
0x131: {  	_ =	swait.ge [sflag:s4], $0x2800  }
0x132: {  	[sflag:s4] =	ssyncset.done $0x0  }
0x133: {  	[sflag:s4] =	ssyncadd.s32 $0xFFFFD800  }
0x134: {  	[tilespmem:s3], [sflag:$0x2] =	stream.linear.gather [spmem:s31], $0x2800, $0x38;
	[tilespmem:$0x19100] =	vst v63  }
0x135: {  	s9 =	sadd.s32 $0x1, s9;
	_ =	swait.ge [sflag:s4], $0x2800  }
0x136: {  	p0 =	sne.s32 s9, s13;
	[sflag:s4] =	ssyncset.done $0x0  }
.Ltmp2:
0x137: {  	[sflag:s4] =	ssyncadd.s32 $0xFFFFD800;
	(pc) =	sbr.rel @p0 .LBB2_1-.Ltmp2, $4  }
0x138: {  	[hbm4b:s20+s1] =	stream.linear.scatter [tilespmem:s3], [sflag:$0x2], $0x2800, $0x38;
	[tilespmem:$0x19100] =	vst v63  }
0x139: {  	_ =	swait.ge [sflag:s4], $0x2800  }
0x13a: {  	[sflag:s4] =	ssyncset.done $0x0  }
0x13b: {  	[sflag:s4] =	ssyncadd.s32 $0xFFFFD800  }
0x13c: {  	_ =	sfence.sel $0x180000  }
0x13d: {  	[bflag:$0x0] =	sbarrier.arrive $0xFFFF  }
0x13e: {  	_ =	strace $0x90000047  }
0x13f: {  	s0 =	stileid.u32;
	[bflag:$0x2] =	sbarrier.arrive $0xFFFF  }
0x140: {  	p0 =	sne.s32 s0, $0x0;
	s0 =	rddreg [dreg:$0x4]  }
0x141: {  	s0 =	sadd.s32 @!p0 $0x100000, s0  }
0x142: {  	[sflag:s0] =	ssyncadd.tile.s32 @!p0 $0x1;
	_ =	shalt  }
.Lfunc_end2:
_tile_overlayer_lowered:
.L_overlay_start_2:
0x143: {  	(tag) =	ssettag $0x2  }
0x144: {  	s0 =	rddreg [dreg:$0x0];
	s2 =	stileid.u32  }
0x145: {  	s1 =	rddreg [dreg:$0x1];
	p0 =	sne.s32 s2, $0x0  }
0x146: {  	s3 =	rddreg [dreg:$0x2];
	[bflag:$0x3] =	sbarrier.arrive $0xFFFF;
	s2 =	simm.s32 @!p0 $0x1C02  }
0x147: {  	[timem:s3], [sflag:s2] =	dma.local @!p0 [hbm:s0], s1  }
0x148: {  	s0 =	simm.s32 @!p0 $0x2  }
0x149: {  	_ =	swait.ge @!p0 [sflag:s0], s1  }
0x14a: {  	s1 =	ssub.s32 @!p0 $0x0, s1;
	[sflag:s0] =	ssyncset.done @!p0 $0x0  }
0x14b: {  	[sflag:s0] =	ssyncadd.s32 @!p0 s1  }
0x14c: {  	[bflag:$0x3] =	sbarrier.arrive $0xFFFF  }
0x14d: {  	_ =	shalt  }

// kernel: kernel.8.cloned.1.call-start
scs
__scs_entry_jumppad:
0x0: {  	(pc) =	sbr.rel $0x88, $3  }
0x1: {  	(tag) =	ssettag $0x0;
	lr =	simm.s32 $0x1  }
0x2: {  	[smem:$0x3F99] =	sst lr;
	_ =	strace $0xD0000000  }
0x3: {  	_ = 	snop  }
0x4: {  	_ = 	snop  }
0x5: {  	_ = 	snop  }
0x6: {  	_ = 	snop  }
0x7: {  	_ = 	snop  }
__scs_overlays_trampoline_lowered:
0x8: {  	[smem:$0x3FA8] =	sst s0  }
0x9: {  	[smem:$0x3FA9] =	sst s1  }
0xa: {  	[smem:$0x3FAA] =	sst s2  }
0xb: {  	[smem:$0x3FAB] =	sst s3  }
0xc: {  	[smem:$0x3FAC] =	sst s4  }
0xd: {  	[smem:$0x3FAD] =	sst s5  }
0xe: {  	[smem:$0x3FAE] =	sst s6  }
0xf: {  	[smem:$0x3FAF] =	sst s7  }
0x10: {  	[smem:$0x3FB0] =	sst s8  }
0x11: {  	[smem:$0x3FB1] =	sst s9;
	s0 =	simm.s32 @!p0 $0x0  }
0x12: {  	s1 =	sld [smem:$0x3F97];
	s0 =	simm.s32 @p0 $0x1  }
0x13: {  	[smem:$0x3FB2] =	sst s0;
	s0 =	simm.s32 @!p1 $0x0  }
0x14: {  	s2 =	sld [smem:$0x3F96];
	s0 =	simm.s32 @p1 $0x1  }
0x15: {  	[smem:$0x3FB3] =	sst s0;
	s0 =	simm.s32 @!p2 $0x0  }
0x16: {  	s3 =	sld [smem:$0x3FDB];
	s0 =	simm.s32 @p2 $0x1  }
0x17: {  	s4 =	simm.s32 $0x1BF5;
	[smem:$0x3FB5] =	sst s0  }
0x18: {  	s0 =	sld [smem:$0x3F98];
	_ =	swait.ge [sflag:s4], $0x0  }
0x19: {  	s7 =	sld [smem:$0x3F99]  }
0x1a: {  	s8 =	sadd.s32 $0xFFFFE003, lr  }
0x1b: {  	s9 =	sadd.s32 $0xFFFFFEF7, lr;
	s5 =	simm.s32 $0xFFFFFFFF;
	p2 =	slt.u32 s8, $0xFFFFF086  }
0x1c: {  	p1 =	slt.u32 s9, $0xF7A;
	s5 =	simm.s32 @!p2 $0x0  }
0x1d: {  	s5 =	simm.s32 @p1 $0x1;
	p0 =	seq.s32 s7, s2  }
0x1e: {  	s7 =	smul.u32 @!p0 $0xF7A, s2;
	p2 =	seq.s32 @!p0 s5, $0x0  }
0x1f: {  	s9 =	smul.u32 $0xF7A, s1;
	s8 =	simm.s32 @!p0 $0x1BF5;
	p2 =	por !p2, p0  }
0x20: {  	[sflag:s8] =	ssyncset.s32 @!p0 $0xFFFFF086;
	s6 =	sadd.s32 @!p0 s3, s7;
	s7 =	simm.s32 @!p0 $0x108  }
0x21: {  	s3 =	sadd.s32 s3, s9;
	s6 =	sadd.s32 @!p0 $0x88, s6;
	s7 =	simm.s32 @p2 $0x1082  }
0x22: {  	[simem:s7], [sflag:s8] =	dma.local @!p0 [hbm:s6], $0xF7A  }
0x23: {  	s9 =	sor.u32 $0xD0000000, s2;
	s6 =	simm.s32 $0x108;
	_ =	swait.ge @!p0 [sflag:s8], $0x0  }
0x24: {  	s3 =	sadd.s32 $0x88, s3;
	s6 =	simm.s32 @!p1 $0x1082;
	[sflag:s4] =	ssyncset.s32 $0xFFFFF086  }
0x25: {  	[simem:s6], [sflag:s4] =	dma.local [hbm:s3], $0xF7A  }
0x26: {  	[smem:$0x3F99] =	sst s1;
	(tag) =	ssettag s2;
	_ =	strace s9  }
0x27: {  	s1 =	sld [smem:$0x3FA9]  }
0x28: {  	s2 =	sld [smem:$0x3FAA]  }
0x29: {  	s4 =	sld [smem:$0x3FAC]  }
0x2a: {  	p0 =	seq.s32 s5, $0x0;
	s5 =	sld [smem:$0x3FAD]  }
0x2b: {  	s6 =	sld [smem:$0x3FAE]  }
0x2c: {  	s7 =	sld [smem:$0x3FAF]  }
0x2d: {  	s3 =	simm.s32 $0x108;
	s8 =	sld [smem:$0x3FB0]  }
0x2e: {  	s3 =	simm.s32 @!p0 $0x1082;
	s9 =	sld [smem:$0x3FB1]  }
0x2f: {  	lr =	sadd.s32 s0, s3;
	s0 =	sld [smem:$0x3FA8]  }
0x30: {  	s3 =	sld [smem:$0x3FAB]  }
0x31: {  	[smem:$0x3FB4] =	sst s10  }
0x32: {  	s10 =	sld [smem:$0x3FB2];
	_ =	sdelay $0x3  }
0x33: {  	p0 =	seq.s32 s10, $0x1;
	s10 =	sld [smem:$0x3FB4];
	_ =	sdelay $0x3  }
0x34: {  	[smem:$0x3FB4] =	sst s10  }
0x35: {  	s10 =	sld [smem:$0x3FB3];
	_ =	sdelay $0x3  }
0x36: {  	p1 =	seq.s32 s10, $0x1;
	s10 =	sld [smem:$0x3FB4];
	_ =	sdelay $0x3  }
0x37: {  	[smem:$0x3FB4] =	sst s10  }
0x38: {  	s10 =	sld [smem:$0x3FB5]  }
0x39: {  	_ = 	snop;
	(pc) =	sbr.ind lr, $3  }
0x3a: {  	_ = 	snop  }
0x3b: {  	_ = 	snop  }
0x3c: {  	p2 =	seq.s32 s10, $0x1;
	s10 =	sld [smem:$0x3FB4]  }
0x3d: {  	_ =	shalt  }
0x3e: {  	_ =	shalt  }
0x3f: {  	_ =	shalt  }
0x40: {  	_ =	shalt  }
0x41: {  	_ =	shalt  }
0x42: {  	_ =	shalt  }
0x43: {  	_ =	shalt  }
0x44: {  	_ =	shalt  }
0x45: {  	_ =	shalt  }
0x46: {  	_ =	shalt  }
0x47: {  	_ =	shalt  }
0x48: {  	_ =	shalt  }
0x49: {  	_ =	shalt  }
0x4a: {  	_ =	shalt  }
0x4b: {  	_ =	shalt  }
0x4c: {  	_ =	shalt  }
0x4d: {  	_ =	shalt  }
0x4e: {  	_ =	shalt  }
0x4f: {  	_ =	shalt  }
0x50: {  	_ =	shalt  }
0x51: {  	_ =	shalt  }
0x52: {  	_ =	shalt  }
0x53: {  	_ =	shalt  }
0x54: {  	_ =	shalt  }
0x55: {  	_ =	shalt  }
0x56: {  	_ =	shalt  }
0x57: {  	_ =	shalt  }
0x58: {  	_ =	shalt  }
0x59: {  	_ =	shalt  }
0x5a: {  	_ =	shalt  }
0x5b: {  	_ =	shalt  }
0x5c: {  	_ =	shalt  }
0x5d: {  	_ =	shalt  }
0x5e: {  	_ =	shalt  }
0x5f: {  	_ =	shalt  }
0x60: {  	_ =	shalt  }
0x61: {  	_ =	shalt  }
0x62: {  	_ =	shalt  }
0x63: {  	_ =	shalt  }
0x64: {  	_ =	shalt  }
0x65: {  	_ =	shalt  }
0x66: {  	_ =	shalt  }
0x67: {  	_ =	shalt  }
0x68: {  	_ =	shalt  }
0x69: {  	_ =	shalt  }
0x6a: {  	_ =	shalt  }
0x6b: {  	_ =	shalt  }
0x6c: {  	_ =	shalt  }
0x6d: {  	_ =	shalt  }
0x6e: {  	_ =	shalt  }
0x6f: {  	_ =	shalt  }
0x70: {  	_ =	shalt  }
0x71: {  	_ =	shalt  }
0x72: {  	_ =	shalt  }
0x73: {  	_ =	shalt  }
0x74: {  	_ =	shalt  }
0x75: {  	_ =	shalt  }
0x76: {  	_ =	shalt  }
0x77: {  	_ =	shalt  }
0x78: {  	_ =	shalt  }
0x79: {  	_ =	shalt  }
0x7a: {  	_ =	shalt  }
0x7b: {  	_ =	shalt  }
0x7c: {  	_ =	shalt  }
0x7d: {  	_ =	shalt  }
0x7e: {  	_ =	shalt  }
0x7f: {  	_ =	shalt  }
0x80: {  	_ =	shalt  }
0x81: {  	_ =	shalt  }
0x82: {  	_ =	shalt  }
0x83: {  	_ =	shalt  }
0x84: {  	_ =	shalt  }
0x85: {  	_ =	shalt  }
0x86: {  	_ =	shalt  }
0x87: {  	_ =	shalt  }
.Lfunc_end0:
.L_simem_size_0:
called_computation.1_lowered:
.L_overlay_start_0:
0x88: {  	s2 =	sld [smem:$0x3FD9]  }
0x89: {  	s3 =	sld [smem:$0x3FFE];
	_ =	sdelay $0x1  }
0x8a: {  	s1 =	srdreg.scid  }
0x8b: {  	s0 =	sand.u32 $0x1, s1  }
0x8c: {  	s17 =	sshll.u32 s0, $0xA;
	s2 =	sadd.s32 s3, s2  }
0x8d: {  	s2 =	sadd.s32 s2, s17  }
0x8e: {  	[smem:$0x3FC0] =	sst s2  }
0x8f: {  	_ = 	snop  }
0x90: {  	s2 =	sld [smem:$0x3FD0];
	(tm) =	ssettm $0x1  }
0x91: {  	s18 =	sld [smem:$0x3FFB];
	_ =	sdelay $0x3  }
0x92: {  	_ =	strace s18  }
0x93: {  	s3 =	sld [smem:$0x3FFC];
	_ =	sdelay $0x3  }
0x94: {  	_ =	strace s3  }
0x95: {  	s3 =	sld [smem:$0x3FFD];
	_ =	sdelay $0x3  }
0x96: {  	_ =	strace s3  }
0x97: {  	_ =	strace $0x8FFFFFFF  }
0x98: {  	s19 =	sld [smem:$0x3FDB];
	_ =	sdelay $0x1  }
0x99: {  	s4 =	simm.s32 $_scs_section_size  }
0x9a: {  	s5 =	simm.s32 $_size__tile_overlayer_lowered;
	s6 =	simm.s32 $_tile_overlayer_lowered  }
0x9b: {  	s22 =	simm.s32 $0x1BFF;
	s21 =	sshll.u32 s6, $0x1;
	s3 =	sadd.s32 s4, s19  }
0x9c: {  	s7 =	simm.s32 $0x0;
	s20 =	sshll.u32 s5, $0x1;
	s5 =	sadd.s32 s21, s3  }
0x9d: {  	[timem:s7], [sflag:s22] =	dma.local [hbm:s5], s20  }
0x9e: {  	_ =	swait.ge [sflag:s22], s20  }
0x9f: {  	s4 =	ssub.s32 $0x0, s20;
	[sflag:s22] =	ssyncset.done $0x0  }
0xa0: {  	[sflag:s22] =	ssyncadd.s32 s4;
	_ =	sdelay $0x1  }
0xa1: {  	s23 =	simm.s32 $0x1B8B  }
0xa2: {  	_ =	swait.ge [sflag:s23], $0x1  }
0xa3: {  	[sflag:s23] =	ssyncset.done $0x0  }
0xa4: {  	s25 =	simm.s32 $0x1B8E;
	s24 =	sld [smem:$0x3FFE];
	[sflag:s23] =	ssyncadd.s32 $0xFFFFFFFF  }
0xa5: {  	s26 =	simm.s32 $execute0_lowered;
	[smem:$0x3FD2] =	sst s25  }
0xa6: {  	s5 =	sshll.u32 s26, $0x1;
	_ =	strace $0x80000049;
	[dreg:$0x1] =	wrdreg $0xFFFFFFFF  }
0xa7: {  	s28 =	simm.s32 $_size_execute0_lowered;
	s3 =	sadd.s32 s3, s5;
	[dreg:$0x0] =	wrdreg $0x0  }
0xa8: {  	s5 =	sshll.u32 s28, $0x1;
	[dreg:$0x2] =	wrdreg s3  }
0xa9: {  	[dreg:$0x3] =	wrdreg s5  }
0xaa: {  	[dreg:$0x4] =	wrdreg $0xC0  }
0xab: {  	_ =	task [dreg:s7], $0x5FFFF  }
0xac: {  	[dreg:$0x1] =	wrdreg $0xFFFFFFFF  }
0xad: {  	[dreg:$0x0] =	wrdreg $0x60  }
0xae: {  	[dreg:$0x2] =	wrdreg s24  }
0xaf: {  	[dreg:$0x3] =	wrdreg s2  }
0xb0: {  	[dreg:$0x4] =	wrdreg $0x9  }
0xb1: {  	_ =	task.clear_ibuf [dreg:s7], $0x5FFFF;
	_ =	strace $0x90000049  }
0xb2: {  	s29 =	simm.s32 $0x9;
	_ =	strace $0x8000004B  }
0xb3: {  	_ =	swait.ge [sflag:s29], $0x1  }
0xb4: {  	[sflag:s29] =	ssyncadd.s32 $0xFFFFFFFF  }
0xb5: {  	_ =	strace $0x9000004B  }
0xb6: {  	_ =	sfence  }
0xb7: {  	s30 =	sld [smem:$0x0];
	_ =	sdelay $0x2  }
0xb8: {  	s31 =	sshll.u32 s1, $0xD;
	s1 =	sshrl.u32 s1, $0x2  }
0xb9: {  	s3 =	sand.u32 $0x4000, s31;
	s1 =	sadd.s32 s1, s30  }
0xba: {  	s0 =	sor.u32 s3, s0;
	s1 =	sshll.u32 s1, $0x11  }
0xbb: {  	s0 =	sor.u32 s1, s0  }
0xbc: {  	s0 =	sadd.s32 $0x8F2B, s0  }
0xbd: {  	[sflag:s0] =	ssyncadd.remote.s32 $0x1  }
0xbe: {  	_ =	sfence.sel $0xFFFF  }
0xbf: {  	[dreg:$0x0] =	wrdreg $0xFFFFFFFF;
	(pc) =	sbr.abs _section_cstart, $3  }
0xc0: {  	[dreg:$0x1] =	wrdreg $0xFFFFFFFF  }
0xc1: {  	_ =	task.clear_ibuf [dreg:s7], $0x2FFFF;
	_ =	strace $0x9FFFFFFF  }
0xc2: {  	(tm) =	ssettm $0x7FFFFFFF  }
0xc3: {  	_ =	shalt  }
tec
execute0_lowered:
.L_overlay_start_1:
0x0: {  	(tag) =	ssettag $0x1  }
0x1: {  	s7 =	rddreg [dreg:$0x0]  }
0x2: {  	s1 =	rddreg [dreg:$0x1]  }
0x3: {  	s0 =	rddreg [dreg:$0x2];
	s2 =	simm.s32 $0x0  }
0x4: {  	s3 =	srdreg.scid;
	s11 =	simm.s32 $0x80;
	s12 =	simm.s32 $0x50  }
0x5: {  	s13 =	simm.s32 $0x100;
	s14 =	simm.s32 $0x2900;
	s15 =	simm.s32 $0x1  }
0x6: {  	s16 =	simm.s32 $0x2;
	s17 =	simm.s32 $0x0;
	[smem:$0x7FF] =	sst s2  }
0x7: {  	s4 =	sadd.s32 $0xBC00, s7;
	s5 =	sadd.s32 $0x1E00, s7;
	s6 =	sand.u32 $0x1, s3  }
0x8: {  	s3 =	stileid.u32;
	_ =	strace $0x8000004A;
	s8 =	ssub.s32 $0x2, s6  }
0x9: {  	s9 =	sshll.u32 s6, $0x4;
	s6 =	sadd.s32 $0x15A00, s7;
	s10 =	sshrl.u32 s8, $0x1  }
0xa: {  	s7 =	sadd.s32 $0x3DA00, s7;
	s9 =	sor.u32 s3, s9;
	s10 =	ssub.s32 s8, s10  }
0xb: {  	s8 =	smul.u32 $0x2710, s9;
	s9 =	smax.u32 s10, $0x1;
	s10 =	simm.s32 $0x3  }
.LBB2_1:
0xc: {  	s18 =	simm.s32 $0x0  }
.LBB2_2:
0xd: {  	s19 =	smul.u32 $0x50, s18;
	_ =	sdelay $0x1  }
0xe: {  	s19 =	sadd.s32 s8, s19  }
0xf: {  	s20 =	sshrl.u32 s19, $0x3  }
0x10: {  	s22 =	simm.s32 $0x0;
	s21 =	sadd.s32 s4, s20  }
0x11: {  	[tilespmem:s22], [sflag:$0x3] =	stream.linear.gather [hbm4b:s21+s22], $0x50, $0x38;
	[tilespmem:$0x5100] =	vst v63  }
0x12: {  	_ =	swait.ge [sflag:s10], $0x50  }
0x13: {  	[sflag:s10] =	ssyncset.done $0x0  }
0x14: {  	s20 =	sadd.s32 s5, s20;
	[sflag:s10] =	ssyncadd.s32 $0xFFFFFFB0  }
0x15: {  	[tilespmem:s11], [sflag:$0x3] =	stream.linear.gather [hbm4b:s20+s22], $0x50, $0x38;
	[tilespmem:$0x5100] =	vst v63  }
0x16: {  	_ =	swait.ge [sflag:s10], $0x50  }
0x17: {  	[sflag:s10] =	ssyncset.done $0x0  }
0x18: {  	[sflag:s10] =	ssyncadd.s32 $0xFFFFFFB0  }
0x19: {  	[tilespmem:s13], [sflag:$0x1] =	stream.indirect.gather [hbm4b:s6+s12], $0x80, s22, s12, $0xb8;
	[tilespmem:$0x5100] =	vst v63  }
0x1a: {  	_ = 	snop  }
0x1b: {  	[tilespmem:s14], [sflag:$0x2] =	stream.indirect.gather [hbm4b:s7+s12], $0x80, s11, s12, $0xb8;
	[tilespmem:$0x5100] =	vst v63  }
0x1c: {  	_ =	swait.ge [sflag:s15], $0x2800  }
0x1d: {  	[sflag:s15] =	ssyncset.done $0x0  }
0x1e: {  	[sflag:s15] =	ssyncadd.s32 $0xFFFFD800  }
0x1f: {  	_ =	swait.ge [sflag:s16], $0x2800  }
0x20: {  	[sflag:s16] =	ssyncset.done $0x0  }
0x21: {  	s20 =	simm.s32 $0x0;
	[sflag:s16] =	ssyncadd.s32 $0xFFFFD800  }
0x22: {  	v7 =	vld [tilespmem:s20+$0x2900]  }
0x23: {  	v11 =	vld [tilespmem:s20+$0x2910]  }
0x24: {  	v5 =	vld [tilespmem:s20+$0x2920]  }
0x25: {  	v4 =	vld [tilespmem:s20+$0x2930]  }
0x26: {  	v3 =	vld [tilespmem:s20+$0x2940]  }
0x27: {  	v2 =	vld [tilespmem:s20+$0x2950]  }
0x28: {  	v1 =	vld [tilespmem:s20+$0x2960]  }
0x29: {  	v0 =	vld [tilespmem:s20+$0x2970]  }
0x2a: {  	v12 =	vld [tilespmem:s20+$0x100]  }
0x2b: {  	v13 =	vld [tilespmem:s20+$0x110]  }
0x2c: {  	v10 =	vld [tilespmem:s20+$0x120]  }
0x2d: {  	v9 =	vld [tilespmem:s20+$0x130]  }
0x2e: {  	v8 =	vld [tilespmem:s20+$0x140]  }
0x2f: {  	v6 =	vld [tilespmem:s20+$0x150];
	v12 =	vadd.f32 v7, v12  }
0x30: {  	s21 =	simm.s32 $0x200;
	v11 =	vadd.f32 v11, v13;
	v7 =	vld [tilespmem:s20+$0x160]  }
.LBB2_3:
0x31: {  	s22 =	sshra.s32 s21, $0x2;
	p0 =	sne.s32 s21, $0x9E00;
	[tilespmem:s20+$0x100] =	vst v12;
	v5 =	vadd.f32 v5, v10;
	v10 =	vld [tilespmem:s20+$0x170]  }
0x32: {  	v12 =	vld [tilespmem:s22+$0x2900];
	[tilespmem:s20+$0x110] =	vst v11;
	v4 =	vadd.f32 v4, v9  }
0x33: {  	v11 =	vld [tilespmem:s22+$0x2910];
	[tilespmem:s20+$0x120] =	vst v5;
	v3 =	vadd.f32 v3, v8  }
0x34: {  	v5 =	vld [tilespmem:s22+$0x2920];
	[tilespmem:s20+$0x130] =	vst v4;
	v2 =	vadd.f32 v2, v6  }
0x35: {  	v4 =	vld [tilespmem:s22+$0x2930];
	[tilespmem:s20+$0x140] =	vst v3;
	v1 =	vadd.f32 v1, v7  }
0x36: {  	v3 =	vld [tilespmem:s22+$0x2940];
	[tilespmem:s20+$0x150] =	vst v2;
	v0 =	vadd.f32 v0, v10  }
0x37: {  	v2 =	vld [tilespmem:s22+$0x2950];
	[tilespmem:s20+$0x160] =	vst v1  }
0x38: {  	v1 =	vld [tilespmem:s22+$0x2960];
	[tilespmem:s20+$0x170] =	vst v0;
	s20 =	smov.u32 s22  }
0x39: {  	v0 =	vld [tilespmem:s20+$0x2970]  }
0x3a: {  	v6 =	vld [tilespmem:s20+$0x100]  }
0x3b: {  	v7 =	vld [tilespmem:s20+$0x110]  }
.Ltmp0:
0x3c: {  	v10 =	vld [tilespmem:s20+$0x120];
	(pc) =	sbr.rel @p0 .LBB2_3-.Ltmp0, $4  }
0x3d: {  	v9 =	vld [tilespmem:s20+$0x130]  }
0x3e: {  	v8 =	vld [tilespmem:s20+$0x140]  }
0x3f: {  	v12 =	vadd.f32 v12, v6;
	v6 =	vld [tilespmem:s20+$0x150]  }
0x40: {  	s21 =	sadd.s32 $0x200, s21;
	v11 =	vadd.f32 v11, v7;
	v7 =	vld [tilespmem:s20+$0x160]  }
0x41: {  	[tilespmem:s20+$0x100] =	vst v12;
	v5 =	vadd.f32 v5, v10;
	v63 =	vld [tilespmem:s20+$0x170]  }
0x42: {  	[tilespmem:s20+$0x110] =	vst v11;
	v4 =	vadd.f32 v4, v9  }
0x43: {  	[tilespmem:s20+$0x120] =	vst v5;
	v3 =	vadd.f32 v3, v8  }
0x44: {  	[tilespmem:s20+$0x130] =	vst v4;
	v2 =	vadd.f32 v2, v6  }
0x45: {  	[tilespmem:s20+$0x140] =	vst v3;
	v1 =	vadd.f32 v1, v7  }
0x46: {  	s18 =	sadd.s32 $0x1, s18;
	[tilespmem:s20+$0x150] =	vst v2;
	v0 =	vadd.f32 v0, v63  }
0x47: {  	s19 =	sshll.u32 s19, $0x4;
	p0 =	sne.s32 s18, $0x7D;
	[tilespmem:s20+$0x160] =	vst v1  }
.Ltmp1:
0x48: {  	s19 =	sadd.s32 s1, s19;
	[tilespmem:s20+$0x170] =	vst v0;
	(pc) =	sbr.rel @p0 .LBB2_2-.Ltmp1, $4  }
0x49: {  	[hbm4b:s19+s2] =	stream.linear.scatter [tilespmem:s13], [sflag:$0x3], $0x2800, $0x38;
	[tilespmem:$0x5100] =	vst v63  }
0x4a: {  	_ =	swait.ge [sflag:s10], $0x2800  }
0x4b: {  	[sflag:s10] =	ssyncset.done $0x0  }
0x4c: {  	[sflag:s10] =	ssyncadd.s32 $0xFFFFD800  }
0x4d: {  	s17 =	sadd.s32 $0x1, s17  }
0x4e: {  	p0 =	sne.s32 s17, s9  }
.Ltmp2:
0x4f: {  	_ = 	snop;
	(pc) =	sbr.rel @p0 .LBB2_1-.Ltmp2, $1  }
0x50: {  	_ =	sdelay $0x3  }
0x51: {  	_ =	sfence.sel $0x180000  }
0x52: {  	[bflag:$0x0] =	sbarrier.arrive $0xFFFF  }
0x53: {  	p0 =	sne.s32 s3, $0x0;
	_ =	strace $0x9000004A  }
0x54: {  	s0 =	sadd.s32 @!p0 $0x100000, s0;
	[bflag:$0x2] =	sbarrier.arrive $0xFFFF  }
0x55: {  	[sflag:s0] =	ssyncadd.tile.s32 @!p0 $0x1;
	_ =	shalt  }
.Lfunc_end2:
_tile_overlayer_lowered:
.L_overlay_start_2:
0x56: {  	(tag) =	ssettag $0x2  }
0x57: {  	s0 =	rddreg [dreg:$0x0];
	s2 =	stileid.u32  }
0x58: {  	s1 =	rddreg [dreg:$0x1];
	p0 =	sne.s32 s2, $0x0  }
0x59: {  	s3 =	rddreg [dreg:$0x2];
	[bflag:$0x3] =	sbarrier.arrive $0xFFFF;
	s2 =	simm.s32 @!p0 $0x1C03  }
0x5a: {  	[timem:s3], [sflag:s2] =	dma.local @!p0 [hbm:s0], s1  }
0x5b: {  	s0 =	simm.s32 @!p0 $0x3  }
0x5c: {  	_ =	swait.ge @!p0 [sflag:s0], s1  }
0x5d: {  	s1 =	ssub.s32 @!p0 $0x0, s1;
	[sflag:s0] =	ssyncset.done @!p0 $0x0  }
0x5e: {  	[sflag:s0] =	ssyncadd.s32 @!p0 s1  }
0x5f: {  	[bflag:$0x3] =	sbarrier.arrive $0xFFFF  }
0x60: {  	_ =	shalt  }

</sc_bundles>
